<compile_context>
chip_gen: v7x
topology: tpu7x:2x2x1
jax: 0.10.2.dev20260603
libtpu: 0.0.44.dev20260713+nightly
codegen_flags: <defaults>
</compile_context>

<pallas_src>
import functools

import jax
import jax.numpy as jnp
from jax import lax
from jax.experimental import pallas as pl
from jax.experimental.pallas import tpu as pltpu
from jax.experimental.pallas import tpu_sc as plsc

N_CODES = 8192
DIM = 256
TOK_BLK = 512
CODE_BLK = 256
BETA = 0.25


def _vq_argmin_body(z_ref, sz2_ref, emb_ref, se2_ref, idx_ref, dsum_ref):
    zneg = z_ref[...] * -2.0
    sz2 = sz2_ref[...]
    nchunk = N_CODES // CODE_BLK
    rmin = jnp.full((TOK_BLK, CODE_BLK), jnp.inf, dtype=jnp.float32)
    rchunk = jnp.zeros((TOK_BLK, CODE_BLK), dtype=jnp.int32)
    for c in range(nchunk):
        emb_c = emb_ref[pl.ds(c * CODE_BLK, CODE_BLK), :]
        se2_c = se2_ref[:, pl.ds(c * CODE_BLK, CODE_BLK)]
        mm = lax.dot_general(zneg, emb_c, (((1,), (1,)), ((), ())),
                             preferred_element_type=jnp.float32)
        d = (sz2 + se2_c) + mm
        better = d < rmin
        rchunk = jnp.where(better, c, rchunk)
        rmin = jnp.minimum(rmin, d)
    m = jnp.min(rmin, axis=1)
    jj = lax.broadcasted_iota(jnp.int32, (TOK_BLK, CODE_BLK), 1)
    n = rchunk * CODE_BLK + jj
    run_idx = jnp.min(jnp.where(rmin == m[:, None], n, N_CODES), axis=1)
    idx_ref[0, 0, :] = run_idx
    dsum_ref[0, 0, :] = jnp.full((TOK_BLK,), jnp.sum(m), dtype=jnp.float32)


def _argmin_distances(z_flat, sz2, emb_weight, se2_row):
    nb = z_flat.shape[0] // TOK_BLK
    return pl.pallas_call(
        _vq_argmin_body,
        grid=(nb,),
        in_specs=[
            pl.BlockSpec((TOK_BLK, DIM), lambda i: (i, 0)),
            pl.BlockSpec((TOK_BLK, 1), lambda i: (i, 0)),
            pl.BlockSpec((N_CODES, DIM), lambda i: (0, 0)),
            pl.BlockSpec((1, N_CODES), lambda i: (0, 0)),
        ],
        out_specs=[
            pl.BlockSpec((1, 1, TOK_BLK), lambda i: (i, 0, 0)),
            pl.BlockSpec((1, 1, TOK_BLK), lambda i: (i, 0, 0)),
        ],
        out_shape=[
            jax.ShapeDtypeStruct((nb, 1, TOK_BLK), jnp.int32),
            jax.ShapeDtypeStruct((nb, 1, TOK_BLK), jnp.float32),
        ],
    )(z_flat, sz2, emb_weight, se2_row)


def _gather_rows_sc(emb_weight, idx2d, n_tokens):
    info = plsc.get_sparse_core_info()
    nw = info.num_cores * info.num_subcores
    bpw = n_tokens // nw
    nchunk = bpw // 128
    mesh = plsc.VectorSubcoreMesh(core_axis_name="c", subcore_axis_name="s")

    @functools.partial(
        pl.kernel, mesh=mesh,
        out_type=jax.ShapeDtypeStruct((n_tokens, DIM), jnp.float32),
        scratch_types=[
            pltpu.VMEM((nchunk, 128), jnp.int32),
            pltpu.VMEM((bpw, DIM), jnp.float32),
            pltpu.SemaphoreType.DMA,
        ],
    )
    def k(table_hbm, idx_hbm, out_hbm, idx_v, rows_v, sem):
        wid = lax.axis_index("s") * info.num_cores + lax.axis_index("c")
        pltpu.sync_copy(idx_hbm.at[pl.ds(wid * nchunk, nchunk)], idx_v)
        copies = [
            pltpu.async_copy(table_hbm.at[idx_v.at[j]],
                             rows_v.at[pl.ds(j * 128, 128)], sem)
            for j in range(nchunk)
        ]
        for cp in copies:
            cp.wait()
        pltpu.sync_copy(rows_v, out_hbm.at[pl.ds(wid * bpw, bpw)])

    return k(emb_weight, idx2d)


def kernel(z, emb_weight):
    zt = jnp.transpose(z, (0, 1, 3, 4, 2))
    z_flat = zt.reshape(-1, DIM)
    n_tok = z_flat.shape[0]
    sz2 = jnp.sum(z_flat ** 2, axis=1, keepdims=True)
    se2_row = jnp.sum(emb_weight ** 2, axis=1).reshape(1, N_CODES)

    half = n_tok // 2
    idx_halves, dsum_halves, zq_halves = [], [], []
    for hh in range(2):
        idx3, dsum3 = _argmin_distances(
            lax.dynamic_slice_in_dim(z_flat, hh * half, half, 0),
            lax.dynamic_slice_in_dim(sz2, hh * half, half, 0),
            emb_weight, se2_row)
        idx_h = idx3.reshape(half)
        zq_halves.append(
            _gather_rows_sc(emb_weight, idx_h.reshape(-1, 128), half))
        idx_halves.append(idx_h)
        dsum_halves.append(dsum3[:, 0, 0])
    indices = jnp.concatenate(idx_halves)
    loss = ((1.0 + BETA) * (jnp.sum(dsum_halves[0]) + jnp.sum(dsum_halves[1]))
            / float(z.size))
    z_q_flat = jnp.concatenate(zq_halves, axis=0)
    z_q = jnp.transpose(z_q_flat.reshape(zt.shape), (0, 1, 4, 2, 3))
    return z_q, loss, indices

# --- scband reference (transcript-rebuilt; emitter-appended) ---
"""Pipeline reference for scband-vector-quantizer2-19963007992606 (READ-ONLY COPY).

The authoritative reference and input builder live on the scoring server;
editing this copy changes nothing except your own understanding.
"""

import jax, jax.numpy as jnp
import numpy as np

N_E = 8192
E_DIM = 256
BETA = 0.25

def setup_inputs(seed: int = 0) -> dict:
    key = jax.random.key(seed)
    k1, k2 = jax.random.split(key)
    z = jax.random.normal(k1, (2, 4, 256, 32, 32), dtype=jnp.float32)
    emb_weight = jax.random.uniform(k2, (N_E, E_DIM), dtype=jnp.float32, minval=-1.0 / N_E, maxval=1.0 / N_E)
    return {"z": z, "emb_weight": emb_weight}

def reference(z, emb_weight):
    # b t c h w -> b t h w c
    zt = jnp.transpose(z, (0, 1, 3, 4, 2))
    z_flat = zt.reshape(-1, E_DIM)
    d = (jnp.sum(z_flat ** 2, axis=1, keepdims=True)
         + jnp.sum(emb_weight ** 2, axis=1)
         - 2.0 * jnp.einsum('bd,dn->bn', z_flat, emb_weight.T))
    min_encoding_indices = jnp.argmin(d, axis=1)
    z_q = jnp.take(emb_weight, min_encoding_indices, axis=0).reshape(zt.shape)
    # legacy=False branch
    loss = (BETA * jnp.mean((jax.lax.stop_gradient(z_q) - zt) ** 2)
            + jnp.mean((z_q - jax.lax.stop_gradient(zt)) ** 2))
    # straight-through estimator
    z_q = zt + jax.lax.stop_gradient(z_q - zt)
    # b t h w c -> b t c h w
    z_q = jnp.transpose(z_q, (0, 1, 4, 2, 3))
    return (z_q, loss, min_encoding_indices)

if __name__ == "__main__":
    import jax
    _d = setup_inputs()
    print(jax.jit(kernel)(*tuple(_d.values())))

</pallas_src>

<mosaic_0001>
#map = affine_map<(d0, d1) -> (0, 0)>
module attributes {stable_mosaic.version = 14 : i64} {
  func.func @k(%arg0: i32, %arg1: i32, %arg2: memref<8192x256xf32, #tpu.memory_space<hbm>>, %arg3: memref<32x128xi32, #tpu.memory_space<hbm>>, %arg4: memref<4096x256xf32, #tpu.memory_space<hbm>>, %arg5: memref<1x128xi32, #tpu.memory_space<vmem>>, %arg6: memref<128x256xf32, #tpu.memory_space<vmem>>, %arg7: memref<!tpu.dma_semaphore, #tpu.memory_space<semaphore_mem>>) attributes {dimension_semantics = [#tpu.dimension_semantics<core_parallel>, #tpu.dimension_semantics<subcore_parallel>], iteration_bounds = array<i64: 2, 16>, scalar_prefetch = 0 : i64, scratch_operands = 3 : i64, tpu.core_type = #tpu.core_type<sc_vector_subcore>, window_params = [{transform_indices = #map}, {transform_indices = #map}, {transform_indices = #map}]} {
    %mul3A = arith.constant 2 : i32
    %mul3A_0 = arith.muli %arg1, %mul3A : i32
    %add3A = arith.addi %mul3A_0, %arg0 : i32
    %mul3A_1 = arith.constant 1 : i32
    %mul3A_2 = arith.muli %add3A, %mul3A_1 : i32
    "tpu.region"() ({
      %run_scoped3A = tpu.sem_alloc : memref<!tpu.dma_semaphore, #tpu.memory_space<semaphore_mem>>
      %dma_start3A_23 = arith.constant 0 : i32
      %dma_start3A_24 = tpu.memref_slice %arg3[%mul3A_2, %dma_start3A_23] : memref<32x128xi32, #tpu.memory_space<hbm>> -> memref<1x128xi32, #tpu.memory_space<hbm>>
      %dma_start3A_25 = arith.constant 0 : i32
      %dma_start3A_26 = tpu.memref_slice %arg3[%mul3A_2, %dma_start3A_25] : memref<32x128xi32, #tpu.memory_space<hbm>> -> memref<1x128xi32, #tpu.memory_space<hbm>>
      tpu.enqueue_dma source(%dma_start3A_26 : memref<1x128xi32, #tpu.memory_space<hbm>>) target(%arg5 : memref<1x128xi32, #tpu.memory_space<vmem>>) target_semaphore(%run_scoped3A : memref<!tpu.dma_semaphore, #tpu.memory_space<semaphore_mem>>)
      %dma_wait3A_27 = arith.constant 0 : i32
      %dma_wait3A_28 = tpu.memref_slice %arg3[%mul3A_2, %dma_wait3A_27] : memref<32x128xi32, #tpu.memory_space<hbm>> -> memref<1x128xi32, #tpu.memory_space<hbm>>
      %dma_wait3A_29 = arith.constant 0 : i32
      %dma_wait3A_30 = tpu.memref_slice %arg3[%mul3A_2, %dma_wait3A_29] : memref<32x128xi32, #tpu.memory_space<hbm>> -> memref<1x128xi32, #tpu.memory_space<hbm>>
      tpu.wait_dma2 semaphore(%run_scoped3A : memref<!tpu.dma_semaphore, #tpu.memory_space<semaphore_mem>>) src(%dma_wait3A_30 : memref<1x128xi32, #tpu.memory_space<hbm>>) dst(%arg5 : memref<1x128xi32, #tpu.memory_space<vmem>>)
      tpu.yield
    }) : () -> ()
    %dma_start3A = arith.constant 0 : i32
    %dma_start3A_3 = arith.constant 0 : i32
    %dma_start3A_4 = arith.constant 0 : i32
    %dma_start3A_5 = tpu.memref_slice %arg6[%dma_start3A_3, %dma_start3A_4] : memref<128x256xf32, #tpu.memory_space<vmem>> -> memref<128x256xf32, #tpu.memory_space<vmem>>
    %dma_start3A_6 = arith.constant 0 : i32
    %dma_start3A_7 = tpu.memref_slice %arg5[%dma_start3A, %dma_start3A_6] : memref<1x128xi32, #tpu.memory_space<vmem>> -> memref<1x128xi32, #tpu.memory_space<vmem>>
    %dma_start3A_8 = tpu.memref_squeeze %dma_start3A_7 : memref<1x128xi32, #tpu.memory_space<vmem>> -> memref<128xi32, #tpu.memory_space<vmem>>
    %dma_start3A_9 = arith.constant 0 : i32
    %dma_start3A_10 = arith.constant 0 : i32
    %dma_start3A_11 = tpu.memref_slice %arg2[%dma_start3A_9, %dma_start3A_10] : memref<8192x256xf32, #tpu.memory_space<hbm>> -> memref<8192x256xf32, #tpu.memory_space<hbm>>
    tpu.enqueue_indirect_dma source(%dma_start3A_11 : memref<8192x256xf32, #tpu.memory_space<hbm>>) target(%dma_start3A_5 : memref<128x256xf32, #tpu.memory_space<vmem>>) offsets(%dma_start3A_8 : memref<128xi32, #tpu.memory_space<vmem>>) semaphore(%arg7 : memref<!tpu.dma_semaphore, #tpu.memory_space<semaphore_mem>>)
    %dma_wait3A = arith.constant 0 : i32
    %dma_wait3A_12 = arith.constant 0 : i32
    %dma_wait3A_13 = arith.constant 0 : i32
    %dma_wait3A_14 = tpu.memref_slice %arg6[%dma_wait3A_12, %dma_wait3A_13] : memref<128x256xf32, #tpu.memory_space<vmem>> -> memref<128x256xf32, #tpu.memory_space<vmem>>
    %dma_wait3A_15 = arith.constant 0 : i32
    %dma_wait3A_16 = tpu.memref_slice %arg5[%dma_wait3A, %dma_wait3A_15] : memref<1x128xi32, #tpu.memory_space<vmem>> -> memref<1x128xi32, #tpu.memory_space<vmem>>
    %dma_wait3A_17 = tpu.memref_squeeze %dma_wait3A_16 : memref<1x128xi32, #tpu.memory_space<vmem>> -> memref<128xi32, #tpu.memory_space<vmem>>
    %dma_wait3A_18 = arith.constant 0 : i32
    %dma_wait3A_19 = arith.constant 0 : i32
    %dma_wait3A_20 = tpu.memref_slice %arg2[%dma_wait3A_18, %dma_wait3A_19] : memref<8192x256xf32, #tpu.memory_space<hbm>> -> memref<8192x256xf32, #tpu.memory_space<hbm>>
    tpu.wait_indirect_dma semaphore(%arg7 : memref<!tpu.dma_semaphore, #tpu.memory_space<semaphore_mem>>) src(%dma_wait3A_20 : memref<8192x256xf32, #tpu.memory_space<hbm>>) dst(%dma_wait3A_14 : memref<128x256xf32, #tpu.memory_space<vmem>>)
    %mul3A_21 = arith.constant 128 : i32
    %mul3A_22 = arith.muli %add3A, %mul3A_21 : i32
    "tpu.region"() ({
      %run_scoped3A = tpu.sem_alloc : memref<!tpu.dma_semaphore, #tpu.memory_space<semaphore_mem>>
      %dma_start3A_23 = arith.constant 0 : i32
      %dma_start3A_24 = tpu.memref_slice %arg4[%mul3A_22, %dma_start3A_23] : memref<4096x256xf32, #tpu.memory_space<hbm>> -> memref<128x256xf32, #tpu.memory_space<hbm>>
      %dma_start3A_25 = arith.constant 0 : i32
      %dma_start3A_26 = tpu.memref_slice %arg4[%mul3A_22, %dma_start3A_25] : memref<4096x256xf32, #tpu.memory_space<hbm>> -> memref<128x256xf32, #tpu.memory_space<hbm>>
      tpu.enqueue_dma source(%arg6 : memref<128x256xf32, #tpu.memory_space<vmem>>) target(%dma_start3A_26 : memref<128x256xf32, #tpu.memory_space<hbm>>) target_semaphore(%run_scoped3A : memref<!tpu.dma_semaphore, #tpu.memory_space<semaphore_mem>>)
      %dma_wait3A_27 = arith.constant 0 : i32
      %dma_wait3A_28 = tpu.memref_slice %arg4[%mul3A_22, %dma_wait3A_27] : memref<4096x256xf32, #tpu.memory_space<hbm>> -> memref<128x256xf32, #tpu.memory_space<hbm>>
      %dma_wait3A_29 = arith.constant 0 : i32
      %dma_wait3A_30 = tpu.memref_slice %arg4[%mul3A_22, %dma_wait3A_29] : memref<4096x256xf32, #tpu.memory_space<hbm>> -> memref<128x256xf32, #tpu.memory_space<hbm>>
      tpu.wait_dma2 semaphore(%run_scoped3A : memref<!tpu.dma_semaphore, #tpu.memory_space<semaphore_mem>>) src(%arg6 : memref<128x256xf32, #tpu.memory_space<vmem>>) dst(%dma_wait3A_30 : memref<128x256xf32, #tpu.memory_space<hbm>>)
      tpu.yield
    }) : () -> ()
    return
  }
}

#map = affine_map<(d0, d1) -> (0, 0)>
module attributes {stable_mosaic.version = 14 : i64} {
  func.func @k(%arg0: i32, %arg1: i32, %arg2: memref<8192x256xf32, #tpu.memory_space<hbm>>, %arg3: memref<32x128xi32, #tpu.memory_space<hbm>>, %arg4: memref<4096x256xf32, #tpu.memory_space<hbm>>, %arg5: memref<1x128xi32, #tpu.memory_space<vmem>>, %arg6: memref<128x256xf32, #tpu.memory_space<vmem>>, %arg7: memref<!tpu.dma_semaphore, #tpu.memory_space<semaphore_mem>>) attributes {dimension_semantics = [#tpu.dimension_semantics<core_parallel>, #tpu.dimension_semantics<subcore_parallel>], iteration_bounds = array<i64: 2, 16>, scalar_prefetch = 0 : i64, scratch_operands = 3 : i64, tpu.core_type = #tpu.core_type<sc_vector_subcore>, window_params = [{transform_indices = #map}, {transform_indices = #map}, {transform_indices = #map}]} {
    %mul3A = arith.constant 2 : i32
    %mul3A_0 = arith.muli %arg1, %mul3A : i32
    %add3A = arith.addi %mul3A_0, %arg0 : i32
    %mul3A_1 = arith.constant 1 : i32
    %mul3A_2 = arith.muli %add3A, %mul3A_1 : i32
    "tpu.region"() ({
      %run_scoped3A = tpu.sem_alloc : memref<!tpu.dma_semaphore, #tpu.memory_space<semaphore_mem>>
      %dma_start3A_23 = arith.constant 0 : i32
      %dma_start3A_24 = tpu.memref_slice %arg3[%mul3A_2, %dma_start3A_23] : memref<32x128xi32, #tpu.memory_space<hbm>> -> memref<1x128xi32, #tpu.memory_space<hbm>>
      %dma_start3A_25 = arith.constant 0 : i32
      %dma_start3A_26 = tpu.memref_slice %arg3[%mul3A_2, %dma_start3A_25] : memref<32x128xi32, #tpu.memory_space<hbm>> -> memref<1x128xi32, #tpu.memory_space<hbm>>
      tpu.enqueue_dma source(%dma_start3A_26 : memref<1x128xi32, #tpu.memory_space<hbm>>) target(%arg5 : memref<1x128xi32, #tpu.memory_space<vmem>>) target_semaphore(%run_scoped3A : memref<!tpu.dma_semaphore, #tpu.memory_space<semaphore_mem>>)
      %dma_wait3A_27 = arith.constant 0 : i32
      %dma_wait3A_28 = tpu.memref_slice %arg3[%mul3A_2, %dma_wait3A_27] : memref<32x128xi32, #tpu.memory_space<hbm>> -> memref<1x128xi32, #tpu.memory_space<hbm>>
      %dma_wait3A_29 = arith.constant 0 : i32
      %dma_wait3A_30 = tpu.memref_slice %arg3[%mul3A_2, %dma_wait3A_29] : memref<32x128xi32, #tpu.memory_space<hbm>> -> memref<1x128xi32, #tpu.memory_space<hbm>>
      tpu.wait_dma2 semaphore(%run_scoped3A : memref<!tpu.dma_semaphore, #tpu.memory_space<semaphore_mem>>) src(%dma_wait3A_30 : memref<1x128xi32, #tpu.memory_space<hbm>>) dst(%arg5 : memref<1x128xi32, #tpu.memory_space<vmem>>)
      tpu.yield
    }) : () -> ()
    %dma_start3A = arith.constant 0 : i32
    %dma_start3A_3 = arith.constant 0 : i32
    %dma_start3A_4 = arith.constant 0 : i32
    %dma_start3A_5 = tpu.memref_slice %arg6[%dma_start3A_3, %dma_start3A_4] : memref<128x256xf32, #tpu.memory_space<vmem>> -> memref<128x256xf32, #tpu.memory_space<vmem>>
    %dma_start3A_6 = arith.constant 0 : i32
    %dma_start3A_7 = tpu.memref_slice %arg5[%dma_start3A, %dma_start3A_6] : memref<1x128xi32, #tpu.memory_space<vmem>> -> memref<1x128xi32, #tpu.memory_space<vmem>>
    %dma_start3A_8 = tpu.memref_squeeze %dma_start3A_7 : memref<1x128xi32, #tpu.memory_space<vmem>> -> memref<128xi32, #tpu.memory_space<vmem>>
    %dma_start3A_9 = arith.constant 0 : i32
    %dma_start3A_10 = arith.constant 0 : i32
    %dma_start3A_11 = tpu.memref_slice %arg2[%dma_start3A_9, %dma_start3A_10] : memref<8192x256xf32, #tpu.memory_space<hbm>> -> memref<8192x256xf32, #tpu.memory_space<hbm>>
    tpu.enqueue_indirect_dma source(%dma_start3A_11 : memref<8192x256xf32, #tpu.memory_space<hbm>>) target(%dma_start3A_5 : memref<128x256xf32, #tpu.memory_space<vmem>>) offsets(%dma_start3A_8 : memref<128xi32, #tpu.memory_space<vmem>>) semaphore(%arg7 : memref<!tpu.dma_semaphore, #tpu.memory_space<semaphore_mem>>)
    %dma_wait3A = arith.constant 0 : i32
    %dma_wait3A_12 = arith.constant 0 : i32
    %dma_wait3A_13 = arith.constant 0 : i32
    %dma_wait3A_14 = tpu.memref_slice %arg6[%dma_wait3A_12, %dma_wait3A_13] : memref<128x256xf32, #tpu.memory_space<vmem>> -> memref<128x256xf32, #tpu.memory_space<vmem>>
    %dma_wait3A_15 = arith.constant 0 : i32
    %dma_wait3A_16 = tpu.memref_slice %arg5[%dma_wait3A, %dma_wait3A_15] : memref<1x128xi32, #tpu.memory_space<vmem>> -> memref<1x128xi32, #tpu.memory_space<vmem>>
    %dma_wait3A_17 = tpu.memref_squeeze %dma_wait3A_16 : memref<1x128xi32, #tpu.memory_space<vmem>> -> memref<128xi32, #tpu.memory_space<vmem>>
    %dma_wait3A_18 = arith.constant 0 : i32
    %dma_wait3A_19 = arith.constant 0 : i32
    %dma_wait3A_20 = tpu.memref_slice %arg2[%dma_wait3A_18, %dma_wait3A_19] : memref<8192x256xf32, #tpu.memory_space<hbm>> -> memref<8192x256xf32, #tpu.memory_space<hbm>>
    tpu.wait_indirect_dma semaphore(%arg7 : memref<!tpu.dma_semaphore, #tpu.memory_space<semaphore_mem>>) src(%dma_wait3A_20 : memref<8192x256xf32, #tpu.memory_space<hbm>>) dst(%dma_wait3A_14 : memref<128x256xf32, #tpu.memory_space<vmem>>)
    %mul3A_21 = arith.constant 128 : i32
    %mul3A_22 = arith.muli %add3A, %mul3A_21 : i32
    "tpu.region"() ({
      %run_scoped3A = tpu.sem_alloc : memref<!tpu.dma_semaphore, #tpu.memory_space<semaphore_mem>>
      %dma_start3A_23 = arith.constant 0 : i32
      %dma_start3A_24 = tpu.memref_slice %arg4[%mul3A_22, %dma_start3A_23] : memref<4096x256xf32, #tpu.memory_space<hbm>> -> memref<128x256xf32, #tpu.memory_space<hbm>>
      %dma_start3A_25 = arith.constant 0 : i32
      %dma_start3A_26 = tpu.memref_slice %arg4[%mul3A_22, %dma_start3A_25] : memref<4096x256xf32, #tpu.memory_space<hbm>> -> memref<128x256xf32, #tpu.memory_space<hbm>>
      tpu.enqueue_dma source(%arg6 : memref<128x256xf32, #tpu.memory_space<vmem>>) target(%dma_start3A_26 : memref<128x256xf32, #tpu.memory_space<hbm>>) target_semaphore(%run_scoped3A : memref<!tpu.dma_semaphore, #tpu.memory_space<semaphore_mem>>)
      %dma_wait3A_27 = arith.constant 0 : i32
      %dma_wait3A_28 = tpu.memref_slice %arg4[%mul3A_22, %dma_wait3A_27] : memref<4096x256xf32, #tpu.memory_space<hbm>> -> memref<128x256xf32, #tpu.memory_space<hbm>>
      %dma_wait3A_29 = arith.constant 0 : i32
      %dma_wait3A_30 = tpu.memref_slice %arg4[%mul3A_22, %dma_wait3A_29] : memref<4096x256xf32, #tpu.memory_space<hbm>> -> memref<128x256xf32, #tpu.memory_space<hbm>>
      tpu.wait_dma2 semaphore(%run_scoped3A : memref<!tpu.dma_semaphore, #tpu.memory_space<semaphore_mem>>) src(%arg6 : memref<128x256xf32, #tpu.memory_space<vmem>>) dst(%dma_wait3A_30 : memref<128x256xf32, #tpu.memory_space<hbm>>)
      tpu.yield
    }) : () -> ()
    return
  }
}

module attributes {stable_mosaic.version = 14 : i64} {
  func.func @_vq_argmin_body(%arg0: i32, %arg1: memref<512x256xf32, #tpu.memory_space<vmem>>, %arg2: memref<512x1xf32, #tpu.memory_space<vmem>>, %arg3: memref<8192x256xf32, #tpu.memory_space<vmem>>, %arg4: memref<1x8192xf32, #tpu.memory_space<vmem>>, %arg5: memref<1x1x512xi32, #tpu.memory_space<vmem>>, %arg6: memref<1x1x512xf32, #tpu.memory_space<vmem>>) attributes {dimension_semantics = [#tpu.dimension_semantics<arbitrary>], iteration_bounds = array<i64: 8>, scalar_prefetch = 0 : i64, scratch_operands = 0 : i64, tpu.core_type = #tpu.core_type<tc>, window_params = [{transform_indices = @transform_0, window_bounds = array<i64: 512, 256>}, {transform_indices = @transform_1, window_bounds = array<i64: 512, 1>}, {pipeline_mode = #tpu.pipeline_mode<synchronous>, transform_indices = @transform_2, window_bounds = array<i64: 8192, 256>}, {pipeline_mode = #tpu.pipeline_mode<synchronous>, transform_indices = @transform_3, window_bounds = array<i64: 1, 8192>}, {transform_indices = @transform_4, window_bounds = array<i64: 1, 1, 512>}, {transform_indices = @transform_5, window_bounds = array<i64: 1, 1, 512>}]} {
    %get3A = arith.constant 0 : index
    %get3A_0 = arith.constant 0 : index
    %get3A_1 = vector.load %arg1[%get3A, %get3A_0] : memref<512x256xf32, #tpu.memory_space<vmem>>, vector<512x256xf32>
    %mul3A = arith.constant -2.000000e+00 : f32
    %mul3A_2 = vector.broadcast %mul3A : f32 to vector<512x256xf32>
    %mul3A_3 = arith.mulf %get3A_1, %mul3A_2 : vector<512x256xf32>
    %get3A_4 = arith.constant 0 : index
    %get3A_5 = arith.constant 0 : index
    %get3A_6 = vector.load %arg2[%get3A_4, %get3A_5] : memref<512x1xf32, #tpu.memory_space<vmem>>, vector<512x1xf32>
    %broadcast_in_dim3A = arith.constant 0x7F800000 : f32
    %broadcast_in_dim3A_7 = vector.broadcast %broadcast_in_dim3A : f32 to vector<512x256xf32>
    %broadcast_in_dim3A_8 = arith.constant 0 : i32
    %broadcast_in_dim3A_9 = vector.broadcast %broadcast_in_dim3A_8 : i32 to vector<512x256xi32>
    %get3A_10 = arith.constant 0 : index
    %get3A_11 = arith.constant 0 : index
    %get3A_12 = vector.load %arg3[%get3A_10, %get3A_11] : memref<8192x256xf32, #tpu.memory_space<vmem>>, vector<256x256xf32>
    %get3A_13 = arith.constant 0 : index
    %get3A_14 = arith.constant 0 : index
    %get3A_15 = vector.load %arg4[%get3A_13, %get3A_14] : memref<1x8192xf32, #tpu.memory_space<vmem>>, vector<1x256xf32>
    %dot_general3A = arith.constant dense<0.000000e+00> : vector<512x256xf32>
    %dot_general3A_16 = tpu.matmul %mul3A_3, %get3A_12, %dot_general3A {dimension_numbers = #tpu.dot_dimension_numbers<[1], [1], [0], [0], [0, 0, 1, 0], [], []>, transpose_lhs_hint = false} : vector<512x256xf32>, vector<256x256xf32>, vector<512x256xf32> -> vector<512x256xf32>
    %add3A = vector.broadcast %get3A_6 : vector<512x1xf32> to vector<512x256xf32>
    %add3A_17 = vector.broadcast %get3A_15 : vector<1x256xf32> to vector<512x256xf32>
    %add3A_18 = arith.addf %add3A, %add3A_17 : vector<512x256xf32>
    %add3A_19 = arith.addf %add3A_18, %dot_general3A_16 : vector<512x256xf32>
    %lt3A = arith.cmpf olt, %add3A_19, %broadcast_in_dim3A_7 : vector<512x256xf32>
    %jit3A = arith.constant 0 : i32
    %broadcast_in_dim3A_20 = vector.broadcast %jit3A : i32 to vector<512x256xi32>
    %select_n3A = arith.select %lt3A, %broadcast_in_dim3A_20, %broadcast_in_dim3A_9 : vector<512x256xi1>, vector<512x256xi32>
    %min3A = arith.minimumf %broadcast_in_dim3A_7, %add3A_19 : vector<512x256xf32>
    %get3A_21 = arith.constant 256 : index
    %get3A_22 = arith.constant 0 : index
    %get3A_23 = vector.load %arg3[%get3A_21, %get3A_22] : memref<8192x256xf32, #tpu.memory_space<vmem>>, vector<256x256xf32>
    %get3A_24 = arith.constant 0 : index
    %get3A_25 = arith.constant 256 : index
    %get3A_26 = vector.load %arg4[%get3A_24, %get3A_25] : memref<1x8192xf32, #tpu.memory_space<vmem>>, vector<1x256xf32>
    %dot_general3A_27 = arith.constant dense<0.000000e+00> : vector<512x256xf32>
    %dot_general3A_28 = tpu.matmul %mul3A_3, %get3A_23, %dot_general3A_27 {dimension_numbers = #tpu.dot_dimension_numbers<[1], [1], [0], [0], [0, 0, 1, 0], [], []>, transpose_lhs_hint = false} : vector<512x256xf32>, vector<256x256xf32>, vector<512x256xf32> -> vector<512x256xf32>
    %add3A_29 = vector.broadcast %get3A_6 : vector<512x1xf32> to vector<512x256xf32>
    %add3A_30 = vector.broadcast %get3A_26 : vector<1x256xf32> to vector<512x256xf32>
    %add3A_31 = arith.addf %add3A_29, %add3A_30 : vector<512x256xf32>
    %add3A_32 = arith.addf %add3A_31, %dot_general3A_28 : vector<512x256xf32>
    %lt3A_33 = arith.cmpf olt, %add3A_32, %min3A : vector<512x256xf32>
    %jit3A_34 = arith.constant 1 : i32
    %broadcast_in_dim3A_35 = vector.broadcast %jit3A_34 : i32 to vector<512x256xi32>
    %select_n3A_36 = arith.select %lt3A_33, %broadcast_in_dim3A_35, %select_n3A : vector<512x256xi1>, vector<512x256xi32>
    %min3A_37 = arith.minimumf %min3A, %add3A_32 : vector<512x256xf32>
    %get3A_38 = arith.constant 512 : index
    %get3A_39 = arith.constant 0 : index
    %get3A_40 = vector.load %arg3[%get3A_38, %get3A_39] : memref<8192x256xf32, #tpu.memory_space<vmem>>, vector<256x256xf32>
    %get3A_41 = arith.constant 0 : index
    %get3A_42 = arith.constant 512 : index
    %get3A_43 = vector.load %arg4[%get3A_41, %get3A_42] : memref<1x8192xf32, #tpu.memory_space<vmem>>, vector<1x256xf32>
    %dot_general3A_44 = arith.constant dense<0.000000e+00> : vector<512x256xf32>
    %dot_general3A_45 = tpu.matmul %mul3A_3, %get3A_40, %dot_general3A_44 {dimension_numbers = #tpu.dot_dimension_numbers<[1], [1], [0], [0], [0, 0, 1, 0], [], []>, transpose_lhs_hint = false} : vector<512x256xf32>, vector<256x256xf32>, vector<512x256xf32> -> vector<512x256xf32>
    %add3A_46 = vector.broadcast %get3A_6 : vector<512x1xf32> to vector<512x256xf32>
    %add3A_47 = vector.broadcast %get3A_43 : vector<1x256xf32> to vector<512x256xf32>
    %add3A_48 = arith.addf %add3A_46, %add3A_47 : vector<512x256xf32>
    %add3A_49 = arith.addf %add3A_48, %dot_general3A_45 : vector<512x256xf32>
    %lt3A_50 = arith.cmpf olt, %add3A_49, %min3A_37 : vector<512x256xf32>
    %jit3A_51 = arith.constant 2 : i32
    %broadcast_in_dim3A_52 = vector.broadcast %jit3A_51 : i32 to vector<512x256xi32>
    %select_n3A_53 = arith.select %lt3A_50, %broadcast_in_dim3A_52, %select_n3A_36 : vector<512x256xi1>, vector<512x256xi32>
    %min3A_54 = arith.minimumf %min3A_37, %add3A_49 : vector<512x256xf32>
    %get3A_55 = arith.constant 768 : index
    %get3A_56 = arith.constant 0 : index
    %get3A_57 = vector.load %arg3[%get3A_55, %get3A_56] : memref<8192x256xf32, #tpu.memory_space<vmem>>, vector<256x256xf32>
    %get3A_58 = arith.constant 0 : index
    %get3A_59 = arith.constant 768 : index
    %get3A_60 = vector.load %arg4[%get3A_58, %get3A_59] : memref<1x8192xf32, #tpu.memory_space<vmem>>, vector<1x256xf32>
    %dot_general3A_61 = arith.constant dense<0.000000e+00> : vector<512x256xf32>
    %dot_general3A_62 = tpu.matmul %mul3A_3, %get3A_57, %dot_general3A_61 {dimension_numbers = #tpu.dot_dimension_numbers<[1], [1], [0], [0], [0, 0, 1, 0], [], []>, transpose_lhs_hint = false} : vector<512x256xf32>, vector<256x256xf32>, vector<512x256xf32> -> vector<512x256xf32>
    %add3A_63 = vector.broadcast %get3A_6 : vector<512x1xf32> to vector<512x256xf32>
    %add3A_64 = vector.broadcast %get3A_60 : vector<1x256xf32> to vector<512x256xf32>
    %add3A_65 = arith.addf %add3A_63, %add3A_64 : vector<512x256xf32>
    %add3A_66 = arith.addf %add3A_65, %dot_general3A_62 : vector<512x256xf32>
    %lt3A_67 = arith.cmpf olt, %add3A_66, %min3A_54 : vector<512x256xf32>
    %jit3A_68 = arith.constant 3 : i32
    %broadcast_in_dim3A_69 = vector.broadcast %jit3A_68 : i32 to vector<512x256xi32>
    %select_n3A_70 = arith.select %lt3A_67, %broadcast_in_dim3A_69, %select_n3A_53 : vector<512x256xi1>, vector<512x256xi32>
    %min3A_71 = arith.minimumf %min3A_54, %add3A_66 : vector<512x256xf32>
    %get3A_72 = arith.constant 1024 : index
    %get3A_73 = arith.constant 0 : index
    %get3A_74 = vector.load %arg3[%get3A_72, %get3A_73] : memref<8192x256xf32, #tpu.memory_space<vmem>>, vector<256x256xf32>
    %get3A_75 = arith.constant 0 : index
    %get3A_76 = arith.constant 1024 : index
    %get3A_77 = vector.load %arg4[%get3A_75, %get3A_76] : memref<1x8192xf32, #tpu.memory_space<vmem>>, vector<1x256xf32>
    %dot_general3A_78 = arith.constant dense<0.000000e+00> : vector<512x256xf32>
    %dot_general3A_79 = tpu.matmul %mul3A_3, %get3A_74, %dot_general3A_78 {dimension_numbers = #tpu.dot_dimension_numbers<[1], [1], [0], [0], [0, 0, 1, 0], [], []>, transpose_lhs_hint = false} : vector<512x256xf32>, vector<256x256xf32>, vector<512x256xf32> -> vector<512x256xf32>
    %add3A_80 = vector.broadcast %get3A_6 : vector<512x1xf32> to vector<512x256xf32>
    %add3A_81 = vector.broadcast %get3A_77 : vector<1x256xf32> to vector<512x256xf32>
    %add3A_82 = arith.addf %add3A_80, %add3A_81 : vector<512x256xf32>
    %add3A_83 = arith.addf %add3A_82, %dot_general3A_79 : vector<512x256xf32>
    %lt3A_84 = arith.cmpf olt, %add3A_83, %min3A_71 : vector<512x256xf32>
    %jit3A_85 = arith.constant 4 : i32
    %broadcast_in_dim3A_86 = vector.broadcast %jit3A_85 : i32 to vector<512x256xi32>
    %select_n3A_87 = arith.select %lt3A_84, %broadcast_in_dim3A_86, %select_n3A_70 : vector<512x256xi1>, vector<512x256xi32>
    %min3A_88 = arith.minimumf %min3A_71, %add3A_83 : vector<512x256xf32>
    %get3A_89 = arith.constant 1280 : index
    %get3A_90 = arith.constant 0 : index
    %get3A_91 = vector.load %arg3[%get3A_89, %get3A_90] : memref<8192x256xf32, #tpu.memory_space<vmem>>, vector<256x256xf32>
    %get3A_92 = arith.constant 0 : index
    %get3A_93 = arith.constant 1280 : index
    %get3A_94 = vector.load %arg4[%get3A_92, %get3A_93] : memref<1x8192xf32, #tpu.memory_space<vmem>>, vector<1x256xf32>
    %dot_general3A_95 = arith.constant dense<0.000000e+00> : vector<512x256xf32>
    %dot_general3A_96 = tpu.matmul %mul3A_3, %get3A_91, %dot_general3A_95 {dimension_numbers = #tpu.dot_dimension_numbers<[1], [1], [0], [0], [0, 0, 1, 0], [], []>, transpose_lhs_hint = false} : vector<512x256xf32>, vector<256x256xf32>, vector<512x256xf32> -> vector<512x256xf32>
    %add3A_97 = vector.broadcast %get3A_6 : vector<512x1xf32> to vector<512x256xf32>
    %add3A_98 = vector.broadcast %get3A_94 : vector<1x256xf32> to vector<512x256xf32>
    %add3A_99 = arith.addf %add3A_97, %add3A_98 : vector<512x256xf32>
    %add3A_100 = arith.addf %add3A_99, %dot_general3A_96 : vector<512x256xf32>
    %lt3A_101 = arith.cmpf olt, %add3A_100, %min3A_88 : vector<512x256xf32>
    %jit3A_102 = arith.constant 5 : i32
    %broadcast_in_dim3A_103 = vector.broadcast %jit3A_102 : i32 to vector<512x256xi32>
    %select_n3A_104 = arith.select %lt3A_101, %broadcast_in_dim3A_103, %select_n3A_87 : vector<512x256xi1>, vector<512x256xi32>
    %min3A_105 = arith.minimumf %min3A_88, %add3A_100 : vector<512x256xf32>
    %get3A_106 = arith.constant 1536 : index
    %get3A_107 = arith.constant 0 : index
    %get3A_108 = vector.load %arg3[%get3A_106, %get3A_107] : memref<8192x256xf32, #tpu.memory_space<vmem>>, vector<256x256xf32>
    %get3A_109 = arith.constant 0 : index
    %get3A_110 = arith.constant 1536 : index
    %get3A_111 = vector.load %arg4[%get3A_109, %get3A_110] : memref<1x8192xf32, #tpu.memory_space<vmem>>, vector<1x256xf32>
    %dot_general3A_112 = arith.constant dense<0.000000e+00> : vector<512x256xf32>
    %dot_general3A_113 = tpu.matmul %mul3A_3, %get3A_108, %dot_general3A_112 {dimension_numbers = #tpu.dot_dimension_numbers<[1], [1], [0], [0], [0, 0, 1, 0], [], []>, transpose_lhs_hint = false} : vector<512x256xf32>, vector<256x256xf32>, vector<512x256xf32> -> vector<512x256xf32>
    %add3A_114 = vector.broadcast %get3A_6 : vector<512x1xf32> to vector<512x256xf32>
    %add3A_115 = vector.broadcast %get3A_111 : vector<1x256xf32> to vector<512x256xf32>
    %add3A_116 = arith.addf %add3A_114, %add3A_115 : vector<512x256xf32>
    %add3A_117 = arith.addf %add3A_116, %dot_general3A_113 : vector<512x256xf32>
    %lt3A_118 = arith.cmpf olt, %add3A_117, %min3A_105 : vector<512x256xf32>
    %jit3A_119 = arith.constant 6 : i32
    %broadcast_in_dim3A_120 = vector.broadcast %jit3A_119 : i32 to vector<512x256xi32>
    %select_n3A_121 = arith.select %lt3A_118, %broadcast_in_dim3A_120, %select_n3A_104 : vector<512x256xi1>, vector<512x256xi32>
    %min3A_122 = arith.minimumf %min3A_105, %add3A_117 : vector<512x256xf32>
    %get3A_123 = arith.constant 1792 : index
    %get3A_124 = arith.constant 0 : index
    %get3A_125 = vector.load %arg3[%get3A_123, %get3A_124] : memref<8192x256xf32, #tpu.memory_space<vmem>>, vector<256x256xf32>
    %get3A_126 = arith.constant 0 : index
    %get3A_127 = arith.constant 1792 : index
    %get3A_128 = vector.load %arg4[%get3A_126, %get3A_127] : memref<1x8192xf32, #tpu.memory_space<vmem>>, vector<1x256xf32>
    %dot_general3A_129 = arith.constant dense<0.000000e+00> : vector<512x256xf32>
    %dot_general3A_130 = tpu.matmul %mul3A_3, %get3A_125, %dot_general3A_129 {dimension_numbers = #tpu.dot_dimension_numbers<[1], [1], [0], [0], [0, 0, 1, 0], [], []>, transpose_lhs_hint = false} : vector<512x256xf32>, vector<256x256xf32>, vector<512x256xf32> -> vector<512x256xf32>
    %add3A_131 = vector.broadcast %get3A_6 : vector<512x1xf32> to vector<512x256xf32>
    %add3A_132 = vector.broadcast %get3A_128 : vector<1x256xf32> to vector<512x256xf32>
    %add3A_133 = arith.addf %add3A_131, %add3A_132 : vector<512x256xf32>
    %add3A_134 = arith.addf %add3A_133, %dot_general3A_130 : vector<512x256xf32>
    %lt3A_135 = arith.cmpf olt, %add3A_134, %min3A_122 : vector<512x256xf32>
    %jit3A_136 = arith.constant 7 : i32
    %broadcast_in_dim3A_137 = vector.broadcast %jit3A_136 : i32 to vector<512x256xi32>
    %select_n3A_138 = arith.select %lt3A_135, %broadcast_in_dim3A_137, %select_n3A_121 : vector<512x256xi1>, vector<512x256xi32>
    %min3A_139 = arith.minimumf %min3A_122, %add3A_134 : vector<512x256xf32>
    %get3A_140 = arith.constant 2048 : index
    %get3A_141 = arith.constant 0 : index
    %get3A_142 = vector.load %arg3[%get3A_140, %get3A_141] : memref<8192x256xf32, #tpu.memory_space<vmem>>, vector<256x256xf32>
    %get3A_143 = arith.constant 0 : index
    %get3A_144 = arith.constant 2048 : index
    %get3A_145 = vector.load %arg4[%get3A_143, %get3A_144] : memref<1x8192xf32, #tpu.memory_space<vmem>>, vector<1x256xf32>
    %dot_general3A_146 = arith.constant dense<0.000000e+00> : vector<512x256xf32>
    %dot_general3A_147 = tpu.matmul %mul3A_3, %get3A_142, %dot_general3A_146 {dimension_numbers = #tpu.dot_dimension_numbers<[1], [1], [0], [0], [0, 0, 1, 0], [], []>, transpose_lhs_hint = false} : vector<512x256xf32>, vector<256x256xf32>, vector<512x256xf32> -> vector<512x256xf32>
    %add3A_148 = vector.broadcast %get3A_6 : vector<512x1xf32> to vector<512x256xf32>
    %add3A_149 = vector.broadcast %get3A_145 : vector<1x256xf32> to vector<512x256xf32>
    %add3A_150 = arith.addf %add3A_148, %add3A_149 : vector<512x256xf32>
    %add3A_151 = arith.addf %add3A_150, %dot_general3A_147 : vector<512x256xf32>
    %lt3A_152 = arith.cmpf olt, %add3A_151, %min3A_139 : vector<512x256xf32>
    %jit3A_153 = arith.constant 8 : i32
    %broadcast_in_dim3A_154 = vector.broadcast %jit3A_153 : i32 to vector<512x256xi32>
    %select_n3A_155 = arith.select %lt3A_152, %broadcast_in_dim3A_154, %select_n3A_138 : vector<512x256xi1>, vector<512x256xi32>
    %min3A_156 = arith.minimumf %min3A_139, %add3A_151 : vector<512x256xf32>
    %get3A_157 = arith.constant 2304 : index
    %get3A_158 = arith.constant 0 : index
    %get3A_159 = vector.load %arg3[%get3A_157, %get3A_158] : memref<8192x256xf32, #tpu.memory_space<vmem>>, vector<256x256xf32>
    %get3A_160 = arith.constant 0 : index
    %get3A_161 = arith.constant 2304 : index
    %get3A_162 = vector.load %arg4[%get3A_160, %get3A_161] : memref<1x8192xf32, #tpu.memory_space<vmem>>, vector<1x256xf32>
    %dot_general3A_163 = arith.constant dense<0.000000e+00> : vector<512x256xf32>
    %dot_general3A_164 = tpu.matmul %mul3A_3, %get3A_159, %dot_general3A_163 {dimension_numbers = #tpu.dot_dimension_numbers<[1], [1], [0], [0], [0, 0, 1, 0], [], []>, transpose_lhs_hint = false} : vector<512x256xf32>, vector<256x256xf32>, vector<512x256xf32> -> vector<512x256xf32>
    %add3A_165 = vector.broadcast %get3A_6 : vector<512x1xf32> to vector<512x256xf32>
    %add3A_166 = vector.broadcast %get3A_162 : vector<1x256xf32> to vector<512x256xf32>
    %add3A_167 = arith.addf %add3A_165, %add3A_166 : vector<512x256xf32>
    %add3A_168 = arith.addf %add3A_167, %dot_general3A_164 : vector<512x256xf32>
    %lt3A_169 = arith.cmpf olt, %add3A_168, %min3A_156 : vector<512x256xf32>
    %jit3A_170 = arith.constant 9 : i32
    %broadcast_in_dim3A_171 = vector.broadcast %jit3A_170 : i32 to vector<512x256xi32>
    %select_n3A_172 = arith.select %lt3A_169, %broadcast_in_dim3A_171, %select_n3A_155 : vector<512x256xi1>, vector<512x256xi32>
    %min3A_173 = arith.minimumf %min3A_156, %add3A_168 : vector<512x256xf32>
    %get3A_174 = arith.constant 2560 : index
    %get3A_175 = arith.constant 0 : index
    %get3A_176 = vector.load %arg3[%get3A_174, %get3A_175] : memref<8192x256xf32, #tpu.memory_space<vmem>>, vector<256x256xf32>
    %get3A_177 = arith.constant 0 : index
    %get3A_178 = arith.constant 2560 : index
    %get3A_179 = vector.load %arg4[%get3A_177, %get3A_178] : memref<1x8192xf32, #tpu.memory_space<vmem>>, vector<1x256xf32>
    %dot_general3A_180 = arith.constant dense<0.000000e+00> : vector<512x256xf32>
    %dot_general3A_181 = tpu.matmul %mul3A_3, %get3A_176, %dot_general3A_180 {dimension_numbers = #tpu.dot_dimension_numbers<[1], [1], [0], [0], [0, 0, 1, 0], [], []>, transpose_lhs_hint = false} : vector<512x256xf32>, vector<256x256xf32>, vector<512x256xf32> -> vector<512x256xf32>
    %add3A_182 = vector.broadcast %get3A_6 : vector<512x1xf32> to vector<512x256xf32>
    %add3A_183 = vector.broadcast %get3A_179 : vector<1x256xf32> to vector<512x256xf32>
    %add3A_184 = arith.addf %add3A_182, %add3A_183 : vector<512x256xf32>
    %add3A_185 = arith.addf %add3A_184, %dot_general3A_181 : vector<512x256xf32>
    %lt3A_186 = arith.cmpf olt, %add3A_185, %min3A_173 : vector<512x256xf32>
    %jit3A_187 = arith.constant 10 : i32
    %broadcast_in_dim3A_188 = vector.broadcast %jit3A_187 : i32 to vector<512x256xi32>
    %select_n3A_189 = arith.select %lt3A_186, %broadcast_in_dim3A_188, %select_n3A_172 : vector<512x256xi1>, vector<512x256xi32>
    %min3A_190 = arith.minimumf %min3A_173, %add3A_185 : vector<512x256xf32>
    %get3A_191 = arith.constant 2816 : index
    %get3A_192 = arith.constant 0 : index
    %get3A_193 = vector.load %arg3[%get3A_191, %get3A_192] : memref<8192x256xf32, #tpu.memory_space<vmem>>, vector<256x256xf32>
    %get3A_194 = arith.constant 0 : index
    %get3A_195 = arith.constant 2816 : index
    %get3A_196 = vector.load %arg4[%get3A_194, %get3A_195] : memref<1x8192xf32, #tpu.memory_space<vmem>>, vector<1x256xf32>
    %dot_general3A_197 = arith.constant dense<0.000000e+00> : vector<512x256xf32>
    %dot_general3A_198 = tpu.matmul %mul3A_3, %get3A_193, %dot_general3A_197 {dimension_numbers = #tpu.dot_dimension_numbers<[1], [1], [0], [0], [0, 0, 1, 0], [], []>, transpose_lhs_hint = false} : vector<512x256xf32>, vector<256x256xf32>, vector<512x256xf32> -> vector<512x256xf32>
    %add3A_199 = vector.broadcast %get3A_6 : vector<512x1xf32> to vector<512x256xf32>
    %add3A_200 = vector.broadcast %get3A_196 : vector<1x256xf32> to vector<512x256xf32>
    %add3A_201 = arith.addf %add3A_199, %add3A_200 : vector<512x256xf32>
    %add3A_202 = arith.addf %add3A_201, %dot_general3A_198 : vector<512x256xf32>
    %lt3A_203 = arith.cmpf olt, %add3A_202, %min3A_190 : vector<512x256xf32>
    %jit3A_204 = arith.constant 11 : i32
    %broadcast_in_dim3A_205 = vector.broadcast %jit3A_204 : i32 to vector<512x256xi32>
    %select_n3A_206 = arith.select %lt3A_203, %broadcast_in_dim3A_205, %select_n3A_189 : vector<512x256xi1>, vector<512x256xi32>
    %min3A_207 = arith.minimumf %min3A_190, %add3A_202 : vector<512x256xf32>
    %get3A_208 = arith.constant 3072 : index
    %get3A_209 = arith.constant 0 : index
    %get3A_210 = vector.load %arg3[%get3A_208, %get3A_209] : memref<8192x256xf32, #tpu.memory_space<vmem>>, vector<256x256xf32>
    %get3A_211 = arith.constant 0 : index
    %get3A_212 = arith.constant 3072 : index
    %get3A_213 = vector.load %arg4[%get3A_211, %get3A_212] : memref<1x8192xf32, #tpu.memory_space<vmem>>, vector<1x256xf32>
    %dot_general3A_214 = arith.constant dense<0.000000e+00> : vector<512x256xf32>
    %dot_general3A_215 = tpu.matmul %mul3A_3, %get3A_210, %dot_general3A_214 {dimension_numbers = #tpu.dot_dimension_numbers<[1], [1], [0], [0], [0, 0, 1, 0], [], []>, transpose_lhs_hint = false} : vector<512x256xf32>, vector<256x256xf32>, vector<512x256xf32> -> vector<512x256xf32>
    %add3A_216 = vector.broadcast %get3A_6 : vector<512x1xf32> to vector<512x256xf32>
    %add3A_217 = vector.broadcast %get3A_213 : vector<1x256xf32> to vector<512x256xf32>
    %add3A_218 = arith.addf %add3A_216, %add3A_217 : vector<512x256xf32>
    %add3A_219 = arith.addf %add3A_218, %dot_general3A_215 : vector<512x256xf32>
    %lt3A_220 = arith.cmpf olt, %add3A_219, %min3A_207 : vector<512x256xf32>
    %jit3A_221 = arith.constant 12 : i32
    %broadcast_in_dim3A_222 = vector.broadcast %jit3A_221 : i32 to vector<512x256xi32>
    %select_n3A_223 = arith.select %lt3A_220, %broadcast_in_dim3A_222, %select_n3A_206 : vector<512x256xi1>, vector<512x256xi32>
    %min3A_224 = arith.minimumf %min3A_207, %add3A_219 : vector<512x256xf32>
    %get3A_225 = arith.constant 3328 : index
    %get3A_226 = arith.constant 0 : index
    %get3A_227 = vector.load %arg3[%get3A_225, %get3A_226] : memref<8192x256xf32, #tpu.memory_space<vmem>>, vector<256x256xf32>
    %get3A_228 = arith.constant 0 : index
    %get3A_229 = arith.constant 3328 : index
    %get3A_230 = vector.load %arg4[%get3A_228, %get3A_229] : memref<1x8192xf32, #tpu.memory_space<vmem>>, vector<1x256xf32>
    %dot_general3A_231 = arith.constant dense<0.000000e+00> : vector<512x256xf32>
    %dot_general3A_232 = tpu.matmul %mul3A_3, %get3A_227, %dot_general3A_231 {dimension_numbers = #tpu.dot_dimension_numbers<[1], [1], [0], [0], [0, 0, 1, 0], [], []>, transpose_lhs_hint = false} : vector<512x256xf32>, vector<256x256xf32>, vector<512x256xf32> -> vector<512x256xf32>
    %add3A_233 = vector.broadcast %get3A_6 : vector<512x1xf32> to vector<512x256xf32>
    %add3A_234 = vector.broadcast %get3A_230 : vector<1x256xf32> to vector<512x256xf32>
    %add3A_235 = arith.addf %add3A_233, %add3A_234 : vector<512x256xf32>
    %add3A_236 = arith.addf %add3A_235, %dot_general3A_232 : vector<512x256xf32>
    %lt3A_237 = arith.cmpf olt, %add3A_236, %min3A_224 : vector<512x256xf32>
    %jit3A_238 = arith.constant 13 : i32
    %broadcast_in_dim3A_239 = vector.broadcast %jit3A_238 : i32 to vector<512x256xi32>
    %select_n3A_240 = arith.select %lt3A_237, %broadcast_in_dim3A_239, %select_n3A_223 : vector<512x256xi1>, vector<512x256xi32>
    %min3A_241 = arith.minimumf %min3A_224, %add3A_236 : vector<512x256xf32>
    %get3A_242 = arith.constant 3584 : index
    %get3A_243 = arith.constant 0 : index
    %get3A_244 = vector.load %arg3[%get3A_242, %get3A_243] : memref<8192x256xf32, #tpu.memory_space<vmem>>, vector<256x256xf32>
    %get3A_245 = arith.constant 0 : index
    %get3A_246 = arith.constant 3584 : index
    %get3A_247 = vector.load %arg4[%get3A_245, %get3A_246] : memref<1x8192xf32, #tpu.memory_space<vmem>>, vector<1x256xf32>
    %dot_general3A_248 = arith.constant dense<0.000000e+00> : vector<512x256xf32>
    %dot_general3A_249 = tpu.matmul %mul3A_3, %get3A_244, %dot_general3A_248 {dimension_numbers = #tpu.dot_dimension_numbers<[1], [1], [0], [0], [0, 0, 1, 0], [], []>, transpose_lhs_hint = false} : vector<512x256xf32>, vector<256x256xf32>, vector<512x256xf32> -> vector<512x256xf32>
    %add3A_250 = vector.broadcast %get3A_6 : vector<512x1xf32> to vector<512x256xf32>
    %add3A_251 = vector.broadcast %get3A_247 : vector<1x256xf32> to vector<512x256xf32>
    %add3A_252 = arith.addf %add3A_250, %add3A_251 : vector<512x256xf32>
    %add3A_253 = arith.addf %add3A_252, %dot_general3A_249 : vector<512x256xf32>
    %lt3A_254 = arith.cmpf olt, %add3A_253, %min3A_241 : vector<512x256xf32>
    %jit3A_255 = arith.constant 14 : i32
    %broadcast_in_dim3A_256 = vector.broadcast %jit3A_255 : i32 to vector<512x256xi32>
    %select_n3A_257 = arith.select %lt3A_254, %broadcast_in_dim3A_256, %select_n3A_240 : vector<512x256xi1>, vector<512x256xi32>
    %min3A_258 = arith.minimumf %min3A_241, %add3A_253 : vector<512x256xf32>
    %get3A_259 = arith.constant 3840 : index
    %get3A_260 = arith.constant 0 : index
    %get3A_261 = vector.load %arg3[%get3A_259, %get3A_260] : memref<8192x256xf32, #tpu.memory_space<vmem>>, vector<256x256xf32>
    %get3A_262 = arith.constant 0 : index
    %get3A_263 = arith.constant 3840 : index
    %get3A_264 = vector.load %arg4[%get3A_262, %get3A_263] : memref<1x8192xf32, #tpu.memory_space<vmem>>, vector<1x256xf32>
    %dot_general3A_265 = arith.constant dense<0.000000e+00> : vector<512x256xf32>
    %dot_general3A_266 = tpu.matmul %mul3A_3, %get3A_261, %dot_general3A_265 {dimension_numbers = #tpu.dot_dimension_numbers<[1], [1], [0], [0], [0, 0, 1, 0], [], []>, transpose_lhs_hint = false} : vector<512x256xf32>, vector<256x256xf32>, vector<512x256xf32> -> vector<512x256xf32>
    %add3A_267 = vector.broadcast %get3A_6 : vector<512x1xf32> to vector<512x256xf32>
    %add3A_268 = vector.broadcast %get3A_264 : vector<1x256xf32> to vector<512x256xf32>
    %add3A_269 = arith.addf %add3A_267, %add3A_268 : vector<512x256xf32>
    %add3A_270 = arith.addf %add3A_269, %dot_general3A_266 : vector<512x256xf32>
    %lt3A_271 = arith.cmpf olt, %add3A_270, %min3A_258 : vector<512x256xf32>
    %jit3A_272 = arith.constant 15 : i32
    %broadcast_in_dim3A_273 = vector.broadcast %jit3A_272 : i32 to vector<512x256xi32>
    %select_n3A_274 = arith.select %lt3A_271, %broadcast_in_dim3A_273, %select_n3A_257 : vector<512x256xi1>, vector<512x256xi32>
    %min3A_275 = arith.minimumf %min3A_258, %add3A_270 : vector<512x256xf32>
    %get3A_276 = arith.constant 4096 : index
    %get3A_277 = arith.constant 0 : index
    %get3A_278 = vector.load %arg3[%get3A_276, %get3A_277] : memref<8192x256xf32, #tpu.memory_space<vmem>>, vector<256x256xf32>
    %get3A_279 = arith.constant 0 : index
    %get3A_280 = arith.constant 4096 : index
    %get3A_281 = vector.load %arg4[%get3A_279, %get3A_280] : memref<1x8192xf32, #tpu.memory_space<vmem>>, vector<1x256xf32>
    %dot_general3A_282 = arith.constant dense<0.000000e+00> : vector<512x256xf32>
    %dot_general3A_283 = tpu.matmul %mul3A_3, %get3A_278, %dot_general3A_282 {dimension_numbers = #tpu.dot_dimension_numbers<[1], [1], [0], [0], [0, 0, 1, 0], [], []>, transpose_lhs_hint = false} : vector<512x256xf32>, vector<256x256xf32>, vector<512x256xf32> -> vector<512x256xf32>
    %add3A_284 = vector.broadcast %get3A_6 : vector<512x1xf32> to vector<512x256xf32>
    %add3A_285 = vector.broadcast %get3A_281 : vector<1x256xf32> to vector<512x256xf32>
    %add3A_286 = arith.addf %add3A_284, %add3A_285 : vector<512x256xf32>
    %add3A_287 = arith.addf %add3A_286, %dot_general3A_283 : vector<512x256xf32>
    %lt3A_288 = arith.cmpf olt, %add3A_287, %min3A_275 : vector<512x256xf32>
    %jit3A_289 = arith.constant 16 : i32
    %broadcast_in_dim3A_290 = vector.broadcast %jit3A_289 : i32 to vector<512x256xi32>
    %select_n3A_291 = arith.select %lt3A_288, %broadcast_in_dim3A_290, %select_n3A_274 : vector<512x256xi1>, vector<512x256xi32>
    %min3A_292 = arith.minimumf %min3A_275, %add3A_287 : vector<512x256xf32>
    %get3A_293 = arith.constant 4352 : index
    %get3A_294 = arith.constant 0 : index
    %get3A_295 = vector.load %arg3[%get3A_293, %get3A_294] : memref<8192x256xf32, #tpu.memory_space<vmem>>, vector<256x256xf32>
    %get3A_296 = arith.constant 0 : index
    %get3A_297 = arith.constant 4352 : index
    %get3A_298 = vector.load %arg4[%get3A_296, %get3A_297] : memref<1x8192xf32, #tpu.memory_space<vmem>>, vector<1x256xf32>
    %dot_general3A_299 = arith.constant dense<0.000000e+00> : vector<512x256xf32>
    %dot_general3A_300 = tpu.matmul %mul3A_3, %get3A_295, %dot_general3A_299 {dimension_numbers = #tpu.dot_dimension_numbers<[1], [1], [0], [0], [0, 0, 1, 0], [], []>, transpose_lhs_hint = false} : vector<512x256xf32>, vector<256x256xf32>, vector<512x256xf32> -> vector<512x256xf32>
    %add3A_301 = vector.broadcast %get3A_6 : vector<512x1xf32> to vector<512x256xf32>
    %add3A_302 = vector.broadcast %get3A_298 : vector<1x256xf32> to vector<512x256xf32>
    %add3A_303 = arith.addf %add3A_301, %add3A_302 : vector<512x256xf32>
    %add3A_304 = arith.addf %add3A_303, %dot_general3A_300 : vector<512x256xf32>
    %lt3A_305 = arith.cmpf olt, %add3A_304, %min3A_292 : vector<512x256xf32>
    %jit3A_306 = arith.constant 17 : i32
    %broadcast_in_dim3A_307 = vector.broadcast %jit3A_306 : i32 to vector<512x256xi32>
    %select_n3A_308 = arith.select %lt3A_305, %broadcast_in_dim3A_307, %select_n3A_291 : vector<512x256xi1>, vector<512x256xi32>
    %min3A_309 = arith.minimumf %min3A_292, %add3A_304 : vector<512x256xf32>
    %get3A_310 = arith.constant 4608 : index
    %get3A_311 = arith.constant 0 : index
    %get3A_312 = vector.load %arg3[%get3A_310, %get3A_311] : memref<8192x256xf32, #tpu.memory_space<vmem>>, vector<256x256xf32>
    %get3A_313 = arith.constant 0 : index
    %get3A_314 = arith.constant 4608 : index
    %get3A_315 = vector.load %arg4[%get3A_313, %get3A_314] : memref<1x8192xf32, #tpu.memory_space<vmem>>, vector<1x256xf32>
    %dot_general3A_316 = arith.constant dense<0.000000e+00> : vector<512x256xf32>
    %dot_general3A_317 = tpu.matmul %mul3A_3, %get3A_312, %dot_general3A_316 {dimension_numbers = #tpu.dot_dimension_numbers<[1], [1], [0], [0], [0, 0, 1, 0], [], []>, transpose_lhs_hint = false} : vector<512x256xf32>, vector<256x256xf32>, vector<512x256xf32> -> vector<512x256xf32>
    %add3A_318 = vector.broadcast %get3A_6 : vector<512x1xf32> to vector<512x256xf32>
    %add3A_319 = vector.broadcast %get3A_315 : vector<1x256xf32> to vector<512x256xf32>
    %add3A_320 = arith.addf %add3A_318, %add3A_319 : vector<512x256xf32>
    %add3A_321 = arith.addf %add3A_320, %dot_general3A_317 : vector<512x256xf32>
    %lt3A_322 = arith.cmpf olt, %add3A_321, %min3A_309 : vector<512x256xf32>
    %jit3A_323 = arith.constant 18 : i32
    %broadcast_in_dim3A_324 = vector.broadcast %jit3A_323 : i32 to vector<512x256xi32>
    %select_n3A_325 = arith.select %lt3A_322, %broadcast_in_dim3A_324, %select_n3A_308 : vector<512x256xi1>, vector<512x256xi32>
    %min3A_326 = arith.minimumf %min3A_309, %add3A_321 : vector<512x256xf32>
    %get3A_327 = arith.constant 4864 : index
    %get3A_328 = arith.constant 0 : index
    %get3A_329 = vector.load %arg3[%get3A_327, %get3A_328] : memref<8192x256xf32, #tpu.memory_space<vmem>>, vector<256x256xf32>
    %get3A_330 = arith.constant 0 : index
    %get3A_331 = arith.constant 4864 : index
    %get3A_332 = vector.load %arg4[%get3A_330, %get3A_331] : memref<1x8192xf32, #tpu.memory_space<vmem>>, vector<1x256xf32>
    %dot_general3A_333 = arith.constant dense<0.000000e+00> : vector<512x256xf32>
    %dot_general3A_334 = tpu.matmul %mul3A_3, %get3A_329, %dot_general3A_333 {dimension_numbers = #tpu.dot_dimension_numbers<[1], [1], [0], [0], [0, 0, 1, 0], [], []>, transpose_lhs_hint = false} : vector<512x256xf32>, vector<256x256xf32>, vector<512x256xf32> -> vector<512x256xf32>
    %add3A_335 = vector.broadcast %get3A_6 : vector<512x1xf32> to vector<512x256xf32>
    %add3A_336 = vector.broadcast %get3A_332 : vector<1x256xf32> to vector<512x256xf32>
    %add3A_337 = arith.addf %add3A_335, %add3A_336 : vector<512x256xf32>
    %add3A_338 = arith.addf %add3A_337, %dot_general3A_334 : vector<512x256xf32>
    %lt3A_339 = arith.cmpf olt, %add3A_338, %min3A_326 : vector<512x256xf32>
    %jit3A_340 = arith.constant 19 : i32
    %broadcast_in_dim3A_341 = vector.broadcast %jit3A_340 : i32 to vector<512x256xi32>
    %select_n3A_342 = arith.select %lt3A_339, %broadcast_in_dim3A_341, %select_n3A_325 : vector<512x256xi1>, vector<512x256xi32>
    %min3A_343 = arith.minimumf %min3A_326, %add3A_338 : vector<512x256xf32>
    %get3A_344 = arith.constant 5120 : index
    %get3A_345 = arith.constant 0 : index
    %get3A_346 = vector.load %arg3[%get3A_344, %get3A_345] : memref<8192x256xf32, #tpu.memory_space<vmem>>, vector<256x256xf32>
    %get3A_347 = arith.constant 0 : index
    %get3A_348 = arith.constant 5120 : index
    %get3A_349 = vector.load %arg4[%get3A_347, %get3A_348] : memref<1x8192xf32, #tpu.memory_space<vmem>>, vector<1x256xf32>
    %dot_general3A_350 = arith.constant dense<0.000000e+00> : vector<512x256xf32>
    %dot_general3A_351 = tpu.matmul %mul3A_3, %get3A_346, %dot_general3A_350 {dimension_numbers = #tpu.dot_dimension_numbers<[1], [1], [0], [0], [0, 0, 1, 0], [], []>, transpose_lhs_hint = false} : vector<512x256xf32>, vector<256x256xf32>, vector<512x256xf32> -> vector<512x256xf32>
    %add3A_352 = vector.broadcast %get3A_6 : vector<512x1xf32> to vector<512x256xf32>
    %add3A_353 = vector.broadcast %get3A_349 : vector<1x256xf32> to vector<512x256xf32>
    %add3A_354 = arith.addf %add3A_352, %add3A_353 : vector<512x256xf32>
    %add3A_355 = arith.addf %add3A_354, %dot_general3A_351 : vector<512x256xf32>
    %lt3A_356 = arith.cmpf olt, %add3A_355, %min3A_343 : vector<512x256xf32>
    %jit3A_357 = arith.constant 20 : i32
    %broadcast_in_dim3A_358 = vector.broadcast %jit3A_357 : i32 to vector<512x256xi32>
    %select_n3A_359 = arith.select %lt3A_356, %broadcast_in_dim3A_358, %select_n3A_342 : vector<512x256xi1>, vector<512x256xi32>
    %min3A_360 = arith.minimumf %min3A_343, %add3A_355 : vector<512x256xf32>
    %get3A_361 = arith.constant 5376 : index
    %get3A_362 = arith.constant 0 : index
    %get3A_363 = vector.load %arg3[%get3A_361, %get3A_362] : memref<8192x256xf32, #tpu.memory_space<vmem>>, vector<256x256xf32>
    %get3A_364 = arith.constant 0 : index
    %get3A_365 = arith.constant 5376 : index
    %get3A_366 = vector.load %arg4[%get3A_364, %get3A_365] : memref<1x8192xf32, #tpu.memory_space<vmem>>, vector<1x256xf32>
    %dot_general3A_367 = arith.constant dense<0.000000e+00> : vector<512x256xf32>
    %dot_general3A_368 = tpu.matmul %mul3A_3, %get3A_363, %dot_general3A_367 {dimension_numbers = #tpu.dot_dimension_numbers<[1], [1], [0], [0], [0, 0, 1, 0], [], []>, transpose_lhs_hint = false} : vector<512x256xf32>, vector<256x256xf32>, vector<512x256xf32> -> vector<512x256xf32>
    %add3A_369 = vector.broadcast %get3A_6 : vector<512x1xf32> to vector<512x256xf32>
    %add3A_370 = vector.broadcast %get3A_366 : vector<1x256xf32> to vector<512x256xf32>
    %add3A_371 = arith.addf %add3A_369, %add3A_370 : vector<512x256xf32>
    %add3A_372 = arith.addf %add3A_371, %dot_general3A_368 : vector<512x256xf32>
    %lt3A_373 = arith.cmpf olt, %add3A_372, %min3A_360 : vector<512x256xf32>
    %jit3A_374 = arith.constant 21 : i32
    %broadcast_in_dim3A_375 = vector.broadcast %jit3A_374 : i32 to vector<512x256xi32>
    %select_n3A_376 = arith.select %lt3A_373, %broadcast_in_dim3A_375, %select_n3A_359 : vector<512x256xi1>, vector<512x256xi32>
    %min3A_377 = arith.minimumf %min3A_360, %add3A_372 : vector<512x256xf32>
    %get3A_378 = arith.constant 5632 : index
    %get3A_379 = arith.constant 0 : index
    %get3A_380 = vector.load %arg3[%get3A_378, %get3A_379] : memref<8192x256xf32, #tpu.memory_space<vmem>>, vector<256x256xf32>
    %get3A_381 = arith.constant 0 : index
    %get3A_382 = arith.constant 5632 : index
    %get3A_383 = vector.load %arg4[%get3A_381, %get3A_382] : memref<1x8192xf32, #tpu.memory_space<vmem>>, vector<1x256xf32>
    %dot_general3A_384 = arith.constant dense<0.000000e+00> : vector<512x256xf32>
    %dot_general3A_385 = tpu.matmul %mul3A_3, %get3A_380, %dot_general3A_384 {dimension_numbers = #tpu.dot_dimension_numbers<[1], [1], [0], [0], [0, 0, 1, 0], [], []>, transpose_lhs_hint = false} : vector<512x256xf32>, vector<256x256xf32>, vector<512x256xf32> -> vector<512x256xf32>
    %add3A_386 = vector.broadcast %get3A_6 : vector<512x1xf32> to vector<512x256xf32>
    %add3A_387 = vector.broadcast %get3A_383 : vector<1x256xf32> to vector<512x256xf32>
    %add3A_388 = arith.addf %add3A_386, %add3A_387 : vector<512x256xf32>
    %add3A_389 = arith.addf %add3A_388, %dot_general3A_385 : vector<512x256xf32>
    %lt3A_390 = arith.cmpf olt, %add3A_389, %min3A_377 : vector<512x256xf32>
    %jit3A_391 = arith.constant 22 : i32
    %broadcast_in_dim3A_392 = vector.broadcast %jit3A_391 : i32 to vector<512x256xi32>
    %select_n3A_393 = arith.select %lt3A_390, %broadcast_in_dim3A_392, %select_n3A_376 : vector<512x256xi1>, vector<512x256xi32>
    %min3A_394 = arith.minimumf %min3A_377, %add3A_389 : vector<512x256xf32>
    %get3A_395 = arith.constant 5888 : index
    %get3A_396 = arith.constant 0 : index
    %get3A_397 = vector.load %arg3[%get3A_395, %get3A_396] : memref<8192x256xf32, #tpu.memory_space<vmem>>, vector<256x256xf32>
    %get3A_398 = arith.constant 0 : index
    %get3A_399 = arith.constant 5888 : index
    %get3A_400 = vector.load %arg4[%get3A_398, %get3A_399] : memref<1x8192xf32, #tpu.memory_space<vmem>>, vector<1x256xf32>
    %dot_general3A_401 = arith.constant dense<0.000000e+00> : vector<512x256xf32>
    %dot_general3A_402 = tpu.matmul %mul3A_3, %get3A_397, %dot_general3A_401 {dimension_numbers = #tpu.dot_dimension_numbers<[1], [1], [0], [0], [0, 0, 1, 0], [], []>, transpose_lhs_hint = false} : vector<512x256xf32>, vector<256x256xf32>, vector<512x256xf32> -> vector<512x256xf32>
    %add3A_403 = vector.broadcast %get3A_6 : vector<512x1xf32> to vector<512x256xf32>
    %add3A_404 = vector.broadcast %get3A_400 : vector<1x256xf32> to vector<512x256xf32>
    %add3A_405 = arith.addf %add3A_403, %add3A_404 : vector<512x256xf32>
    %add3A_406 = arith.addf %add3A_405, %dot_general3A_402 : vector<512x256xf32>
    %lt3A_407 = arith.cmpf olt, %add3A_406, %min3A_394 : vector<512x256xf32>
    %jit3A_408 = arith.constant 23 : i32
    %broadcast_in_dim3A_409 = vector.broadcast %jit3A_408 : i32 to vector<512x256xi32>
    %select_n3A_410 = arith.select %lt3A_407, %broadcast_in_dim3A_409, %select_n3A_393 : vector<512x256xi1>, vector<512x256xi32>
    %min3A_411 = arith.minimumf %min3A_394, %add3A_406 : vector<512x256xf32>
    %get3A_412 = arith.constant 6144 : index
    %get3A_413 = arith.constant 0 : index
    %get3A_414 = vector.load %arg3[%get3A_412, %get3A_413] : memref<8192x256xf32, #tpu.memory_space<vmem>>, vector<256x256xf32>
    %get3A_415 = arith.constant 0 : index
    %get3A_416 = arith.constant 6144 : index
    %get3A_417 = vector.load %arg4[%get3A_415, %get3A_416] : memref<1x8192xf32, #tpu.memory_space<vmem>>, vector<1x256xf32>
    %dot_general3A_418 = arith.constant dense<0.000000e+00> : vector<512x256xf32>
    %dot_general3A_419 = tpu.matmul %mul3A_3, %get3A_414, %dot_general3A_418 {dimension_numbers = #tpu.dot_dimension_numbers<[1], [1], [0], [0], [0, 0, 1, 0], [], []>, transpose_lhs_hint = false} : vector<512x256xf32>, vector<256x256xf32>, vector<512x256xf32> -> vector<512x256xf32>
    %add3A_420 = vector.broadcast %get3A_6 : vector<512x1xf32> to vector<512x256xf32>
    %add3A_421 = vector.broadcast %get3A_417 : vector<1x256xf32> to vector<512x256xf32>
    %add3A_422 = arith.addf %add3A_420, %add3A_421 : vector<512x256xf32>
    %add3A_423 = arith.addf %add3A_422, %dot_general3A_419 : vector<512x256xf32>
    %lt3A_424 = arith.cmpf olt, %add3A_423, %min3A_411 : vector<512x256xf32>
    %jit3A_425 = arith.constant 24 : i32
    %broadcast_in_dim3A_426 = vector.broadcast %jit3A_425 : i32 to vector<512x256xi32>
    %select_n3A_427 = arith.select %lt3A_424, %broadcast_in_dim3A_426, %select_n3A_410 : vector<512x256xi1>, vector<512x256xi32>
    %min3A_428 = arith.minimumf %min3A_411, %add3A_423 : vector<512x256xf32>
    %get3A_429 = arith.constant 6400 : index
    %get3A_430 = arith.constant 0 : index
    %get3A_431 = vector.load %arg3[%get3A_429, %get3A_430] : memref<8192x256xf32, #tpu.memory_space<vmem>>, vector<256x256xf32>
    %get3A_432 = arith.constant 0 : index
    %get3A_433 = arith.constant 6400 : index
    %get3A_434 = vector.load %arg4[%get3A_432, %get3A_433] : memref<1x8192xf32, #tpu.memory_space<vmem>>, vector<1x256xf32>
    %dot_general3A_435 = arith.constant dense<0.000000e+00> : vector<512x256xf32>
    %dot_general3A_436 = tpu.matmul %mul3A_3, %get3A_431, %dot_general3A_435 {dimension_numbers = #tpu.dot_dimension_numbers<[1], [1], [0], [0], [0, 0, 1, 0], [], []>, transpose_lhs_hint = false} : vector<512x256xf32>, vector<256x256xf32>, vector<512x256xf32> -> vector<512x256xf32>
    %add3A_437 = vector.broadcast %get3A_6 : vector<512x1xf32> to vector<512x256xf32>
    %add3A_438 = vector.broadcast %get3A_434 : vector<1x256xf32> to vector<512x256xf32>
    %add3A_439 = arith.addf %add3A_437, %add3A_438 : vector<512x256xf32>
    %add3A_440 = arith.addf %add3A_439, %dot_general3A_436 : vector<512x256xf32>
    %lt3A_441 = arith.cmpf olt, %add3A_440, %min3A_428 : vector<512x256xf32>
    %jit3A_442 = arith.constant 25 : i32
    %broadcast_in_dim3A_443 = vector.broadcast %jit3A_442 : i32 to vector<512x256xi32>
    %select_n3A_444 = arith.select %lt3A_441, %broadcast_in_dim3A_443, %select_n3A_427 : vector<512x256xi1>, vector<512x256xi32>
    %min3A_445 = arith.minimumf %min3A_428, %add3A_440 : vector<512x256xf32>
    %get3A_446 = arith.constant 6656 : index
    %get3A_447 = arith.constant 0 : index
    %get3A_448 = vector.load %arg3[%get3A_446, %get3A_447] : memref<8192x256xf32, #tpu.memory_space<vmem>>, vector<256x256xf32>
    %get3A_449 = arith.constant 0 : index
    %get3A_450 = arith.constant 6656 : index
    %get3A_451 = vector.load %arg4[%get3A_449, %get3A_450] : memref<1x8192xf32, #tpu.memory_space<vmem>>, vector<1x256xf32>
    %dot_general3A_452 = arith.constant dense<0.000000e+00> : vector<512x256xf32>
    %dot_general3A_453 = tpu.matmul %mul3A_3, %get3A_448, %dot_general3A_452 {dimension_numbers = #tpu.dot_dimension_numbers<[1], [1], [0], [0], [0, 0, 1, 0], [], []>, transpose_lhs_hint = false} : vector<512x256xf32>, vector<256x256xf32>, vector<512x256xf32> -> vector<512x256xf32>
    %add3A_454 = vector.broadcast %get3A_6 : vector<512x1xf32> to vector<512x256xf32>
    %add3A_455 = vector.broadcast %get3A_451 : vector<1x256xf32> to vector<512x256xf32>
    %add3A_456 = arith.addf %add3A_454, %add3A_455 : vector<512x256xf32>
    %add3A_457 = arith.addf %add3A_456, %dot_general3A_453 : vector<512x256xf32>
    %lt3A_458 = arith.cmpf olt, %add3A_457, %min3A_445 : vector<512x256xf32>
    %jit3A_459 = arith.constant 26 : i32
    %broadcast_in_dim3A_460 = vector.broadcast %jit3A_459 : i32 to vector<512x256xi32>
    %select_n3A_461 = arith.select %lt3A_458, %broadcast_in_dim3A_460, %select_n3A_444 : vector<512x256xi1>, vector<512x256xi32>
    %min3A_462 = arith.minimumf %min3A_445, %add3A_457 : vector<512x256xf32>
    %get3A_463 = arith.constant 6912 : index
    %get3A_464 = arith.constant 0 : index
    %get3A_465 = vector.load %arg3[%get3A_463, %get3A_464] : memref<8192x256xf32, #tpu.memory_space<vmem>>, vector<256x256xf32>
    %get3A_466 = arith.constant 0 : index
    %get3A_467 = arith.constant 6912 : index
    %get3A_468 = vector.load %arg4[%get3A_466, %get3A_467] : memref<1x8192xf32, #tpu.memory_space<vmem>>, vector<1x256xf32>
    %dot_general3A_469 = arith.constant dense<0.000000e+00> : vector<512x256xf32>
    %dot_general3A_470 = tpu.matmul %mul3A_3, %get3A_465, %dot_general3A_469 {dimension_numbers = #tpu.dot_dimension_numbers<[1], [1], [0], [0], [0, 0, 1, 0], [], []>, transpose_lhs_hint = false} : vector<512x256xf32>, vector<256x256xf32>, vector<512x256xf32> -> vector<512x256xf32>
    %add3A_471 = vector.broadcast %get3A_6 : vector<512x1xf32> to vector<512x256xf32>
    %add3A_472 = vector.broadcast %get3A_468 : vector<1x256xf32> to vector<512x256xf32>
    %add3A_473 = arith.addf %add3A_471, %add3A_472 : vector<512x256xf32>
    %add3A_474 = arith.addf %add3A_473, %dot_general3A_470 : vector<512x256xf32>
    %lt3A_475 = arith.cmpf olt, %add3A_474, %min3A_462 : vector<512x256xf32>
    %jit3A_476 = arith.constant 27 : i32
    %broadcast_in_dim3A_477 = vector.broadcast %jit3A_476 : i32 to vector<512x256xi32>
    %select_n3A_478 = arith.select %lt3A_475, %broadcast_in_dim3A_477, %select_n3A_461 : vector<512x256xi1>, vector<512x256xi32>
    %min3A_479 = arith.minimumf %min3A_462, %add3A_474 : vector<512x256xf32>
    %get3A_480 = arith.constant 7168 : index
    %get3A_481 = arith.constant 0 : index
    %get3A_482 = vector.load %arg3[%get3A_480, %get3A_481] : memref<8192x256xf32, #tpu.memory_space<vmem>>, vector<256x256xf32>
    %get3A_483 = arith.constant 0 : index
    %get3A_484 = arith.constant 7168 : index
    %get3A_485 = vector.load %arg4[%get3A_483, %get3A_484] : memref<1x8192xf32, #tpu.memory_space<vmem>>, vector<1x256xf32>
    %dot_general3A_486 = arith.constant dense<0.000000e+00> : vector<512x256xf32>
    %dot_general3A_487 = tpu.matmul %mul3A_3, %get3A_482, %dot_general3A_486 {dimension_numbers = #tpu.dot_dimension_numbers<[1], [1], [0], [0], [0, 0, 1, 0], [], []>, transpose_lhs_hint = false} : vector<512x256xf32>, vector<256x256xf32>, vector<512x256xf32> -> vector<512x256xf32>
    %add3A_488 = vector.broadcast %get3A_6 : vector<512x1xf32> to vector<512x256xf32>
    %add3A_489 = vector.broadcast %get3A_485 : vector<1x256xf32> to vector<512x256xf32>
    %add3A_490 = arith.addf %add3A_488, %add3A_489 : vector<512x256xf32>
    %add3A_491 = arith.addf %add3A_490, %dot_general3A_487 : vector<512x256xf32>
    %lt3A_492 = arith.cmpf olt, %add3A_491, %min3A_479 : vector<512x256xf32>
    %jit3A_493 = arith.constant 28 : i32
    %broadcast_in_dim3A_494 = vector.broadcast %jit3A_493 : i32 to vector<512x256xi32>
    %select_n3A_495 = arith.select %lt3A_492, %broadcast_in_dim3A_494, %select_n3A_478 : vector<512x256xi1>, vector<512x256xi32>
    %min3A_496 = arith.minimumf %min3A_479, %add3A_491 : vector<512x256xf32>
    %get3A_497 = arith.constant 7424 : index
    %get3A_498 = arith.constant 0 : index
    %get3A_499 = vector.load %arg3[%get3A_497, %get3A_498] : memref<8192x256xf32, #tpu.memory_space<vmem>>, vector<256x256xf32>
    %get3A_500 = arith.constant 0 : index
    %get3A_501 = arith.constant 7424 : index
    %get3A_502 = vector.load %arg4[%get3A_500, %get3A_501] : memref<1x8192xf32, #tpu.memory_space<vmem>>, vector<1x256xf32>
    %dot_general3A_503 = arith.constant dense<0.000000e+00> : vector<512x256xf32>
    %dot_general3A_504 = tpu.matmul %mul3A_3, %get3A_499, %dot_general3A_503 {dimension_numbers = #tpu.dot_dimension_numbers<[1], [1], [0], [0], [0, 0, 1, 0], [], []>, transpose_lhs_hint = false} : vector<512x256xf32>, vector<256x256xf32>, vector<512x256xf32> -> vector<512x256xf32>
    %add3A_505 = vector.broadcast %get3A_6 : vector<512x1xf32> to vector<512x256xf32>
    %add3A_506 = vector.broadcast %get3A_502 : vector<1x256xf32> to vector<512x256xf32>
    %add3A_507 = arith.addf %add3A_505, %add3A_506 : vector<512x256xf32>
    %add3A_508 = arith.addf %add3A_507, %dot_general3A_504 : vector<512x256xf32>
    %lt3A_509 = arith.cmpf olt, %add3A_508, %min3A_496 : vector<512x256xf32>
    %jit3A_510 = arith.constant 29 : i32
    %broadcast_in_dim3A_511 = vector.broadcast %jit3A_510 : i32 to vector<512x256xi32>
    %select_n3A_512 = arith.select %lt3A_509, %broadcast_in_dim3A_511, %select_n3A_495 : vector<512x256xi1>, vector<512x256xi32>
    %min3A_513 = arith.minimumf %min3A_496, %add3A_508 : vector<512x256xf32>
    %get3A_514 = arith.constant 7680 : index
    %get3A_515 = arith.constant 0 : index
    %get3A_516 = vector.load %arg3[%get3A_514, %get3A_515] : memref<8192x256xf32, #tpu.memory_space<vmem>>, vector<256x256xf32>
    %get3A_517 = arith.constant 0 : index
    %get3A_518 = arith.constant 7680 : index
    %get3A_519 = vector.load %arg4[%get3A_517, %get3A_518] : memref<1x8192xf32, #tpu.memory_space<vmem>>, vector<1x256xf32>
    %dot_general3A_520 = arith.constant dense<0.000000e+00> : vector<512x256xf32>
    %dot_general3A_521 = tpu.matmul %mul3A_3, %get3A_516, %dot_general3A_520 {dimension_numbers = #tpu.dot_dimension_numbers<[1], [1], [0], [0], [0, 0, 1, 0], [], []>, transpose_lhs_hint = false} : vector<512x256xf32>, vector<256x256xf32>, vector<512x256xf32> -> vector<512x256xf32>
    %add3A_522 = vector.broadcast %get3A_6 : vector<512x1xf32> to vector<512x256xf32>
    %add3A_523 = vector.broadcast %get3A_519 : vector<1x256xf32> to vector<512x256xf32>
    %add3A_524 = arith.addf %add3A_522, %add3A_523 : vector<512x256xf32>
    %add3A_525 = arith.addf %add3A_524, %dot_general3A_521 : vector<512x256xf32>
    %lt3A_526 = arith.cmpf olt, %add3A_525, %min3A_513 : vector<512x256xf32>
    %jit3A_527 = arith.constant 30 : i32
    %broadcast_in_dim3A_528 = vector.broadcast %jit3A_527 : i32 to vector<512x256xi32>
    %select_n3A_529 = arith.select %lt3A_526, %broadcast_in_dim3A_528, %select_n3A_512 : vector<512x256xi1>, vector<512x256xi32>
    %min3A_530 = arith.minimumf %min3A_513, %add3A_525 : vector<512x256xf32>
    %get3A_531 = arith.constant 7936 : index
    %get3A_532 = arith.constant 0 : index
    %get3A_533 = vector.load %arg3[%get3A_531, %get3A_532] : memref<8192x256xf32, #tpu.memory_space<vmem>>, vector<256x256xf32>
    %get3A_534 = arith.constant 0 : index
    %get3A_535 = arith.constant 7936 : index
    %get3A_536 = vector.load %arg4[%get3A_534, %get3A_535] : memref<1x8192xf32, #tpu.memory_space<vmem>>, vector<1x256xf32>
    %dot_general3A_537 = arith.constant dense<0.000000e+00> : vector<512x256xf32>
    %dot_general3A_538 = tpu.matmul %mul3A_3, %get3A_533, %dot_general3A_537 {dimension_numbers = #tpu.dot_dimension_numbers<[1], [1], [0], [0], [0, 0, 1, 0], [], []>, transpose_lhs_hint = false} : vector<512x256xf32>, vector<256x256xf32>, vector<512x256xf32> -> vector<512x256xf32>
    %add3A_539 = vector.broadcast %get3A_6 : vector<512x1xf32> to vector<512x256xf32>
    %add3A_540 = vector.broadcast %get3A_536 : vector<1x256xf32> to vector<512x256xf32>
    %add3A_541 = arith.addf %add3A_539, %add3A_540 : vector<512x256xf32>
    %add3A_542 = arith.addf %add3A_541, %dot_general3A_538 : vector<512x256xf32>
    %lt3A_543 = arith.cmpf olt, %add3A_542, %min3A_530 : vector<512x256xf32>
    %jit3A_544 = arith.constant 31 : i32
    %broadcast_in_dim3A_545 = vector.broadcast %jit3A_544 : i32 to vector<512x256xi32>
    %select_n3A_546 = arith.select %lt3A_543, %broadcast_in_dim3A_545, %select_n3A_529 : vector<512x256xi1>, vector<512x256xi32>
    %min3A_547 = arith.minimumf %min3A_530, %add3A_542 : vector<512x256xf32>
    %reduce_min3A = arith.constant dense<0x7F800000> : vector<512xf32>
    %reduce_min3A_548 = vector.multi_reduction <minimumf>, %min3A_547, %reduce_min3A [1] : vector<512x256xf32> to vector<512xf32>
    %iota3A = tpu.iota {dimensions = array<i32: 1>} : vector<512x256xi32>
    %mul3A_549 = arith.constant 256 : i32
    %mul3A_550 = vector.broadcast %mul3A_549 : i32 to vector<512x256xi32>
    %mul3A_551 = arith.muli %select_n3A_546, %mul3A_550 : vector<512x256xi32>
    %add3A_552 = arith.addi %mul3A_551, %iota3A : vector<512x256xi32>
    %broadcast_in_dim3A_553 = vector.shape_cast %reduce_min3A_548 : vector<512xf32> to vector<512x1xf32>
    %eq3A = vector.broadcast %broadcast_in_dim3A_553 : vector<512x1xf32> to vector<512x256xf32>
    %eq3A_554 = arith.cmpf oeq, %min3A_547, %eq3A : vector<512x256xf32>
    %jit3A_555 = arith.constant 8192 : i32
    %broadcast_in_dim3A_556 = vector.broadcast %jit3A_555 : i32 to vector<512x256xi32>
    %select_n3A_557 = arith.select %eq3A_554, %add3A_552, %broadcast_in_dim3A_556 : vector<512x256xi1>, vector<512x256xi32>
    %reduce_min3A_558 = arith.constant dense<2147483647> : vector<512xi32>
    %reduce_min3A_559 = vector.multi_reduction <minsi>, %select_n3A_557, %reduce_min3A_558 [1] : vector<512x256xi32> to vector<512xi32>
    %swap3A = arith.constant 0 : index
    %swap3A_560 = arith.constant 0 : index
    %swap3A_561 = arith.constant 0 : index
    %swap3A_562 = vector.load %arg5[%swap3A, %swap3A_560, %swap3A_561] : memref<1x1x512xi32, #tpu.memory_space<vmem>>, vector<1x1x512xi32>
    %swap3A_563 = vector.shape_cast %swap3A_562 : vector<1x1x512xi32> to vector<512xi32>
    %swap3A_564 = vector.shape_cast %reduce_min3A_559 : vector<512xi32> to vector<1x1x512xi32>
    tpu.vector_store %arg5[%swap3A, %swap3A_560, %swap3A_561], %swap3A_564 {strides = array<i32>} : memref<1x1x512xi32, #tpu.memory_space<vmem>>, vector<1x1x512xi32>,
    %reduce_sum3A = vector.shape_cast %reduce_min3A_548 : vector<512xf32> to vector<1x512xf32>
    %reduce_sum3A_565 = arith.constant dense<0.000000e+00> : vector<1xf32>
    %reduce_sum3A_566 = vector.multi_reduction <add>, %reduce_sum3A, %reduce_sum3A_565 [1] : vector<1x512xf32> to vector<1xf32>
    %reduce_sum3A_567 = vector.shape_cast %reduce_sum3A_566 : vector<1xf32> to vector<1x1xf32>
    %reduce_sum3A_568 = vector.extract %reduce_sum3A_567[0, 0] : f32 from vector<1x1xf32>
    %broadcast_in_dim3A_569 = vector.broadcast %reduce_sum3A_568 : f32 to vector<512xf32>
    %swap3A_570 = arith.constant 0 : index
    %swap3A_571 = arith.constant 0 : index
    %swap3A_572 = arith.constant 0 : index
    %swap3A_573 = vector.load %arg6[%swap3A_570, %swap3A_571, %swap3A_572] : memref<1x1x512xf32, #tpu.memory_space<vmem>>, vector<1x1x512xf32>
    %swap3A_574 = vector.shape_cast %swap3A_573 : vector<1x1x512xf32> to vector<512xf32>
    %swap3A_575 = vector.shape_cast %broadcast_in_dim3A_569 : vector<512xf32> to vector<1x1x512xf32>
    tpu.vector_store %arg6[%swap3A_570, %swap3A_571, %swap3A_572], %swap3A_575 {strides = array<i32>} : memref<1x1x512xf32, #tpu.memory_space<vmem>>, vector<1x1x512xf32>,
    return
  }
  func.func @transform_0(%arg0: i32) -> (i32, i32) {
    %c0_i32 = arith.constant 0 : i32
    %c0_i32_0 = arith.constant 0 : i32
    return %arg0, %c0_i32 : i32, i32
  }
  func.func @transform_1(%arg0: i32) -> (i32, i32) {
    %c0_i32 = arith.constant 0 : i32
    %c0_i32_0 = arith.constant 0 : i32
    return %arg0, %c0_i32 : i32, i32
  }
  func.func @transform_2(%arg0: i32) -> (i32, i32) {
    %c0_i32 = arith.constant 0 : i32
    %c0_i32_0 = arith.constant 0 : i32
    %c0_i32_1 = arith.constant 0 : i32
    return %c0_i32, %c0_i32_0 : i32, i32
  }
  func.func @transform_3(%arg0: i32) -> (i32, i32) {
    %c0_i32 = arith.constant 0 : i32
    %c0_i32_0 = arith.constant 0 : i32
    %c0_i32_1 = arith.constant 0 : i32
    return %c0_i32, %c0_i32_0 : i32, i32
  }
  func.func @transform_4(%arg0: i32) -> (i32, i32, i32) {
    %c0_i32 = arith.constant 0 : i32
    %c0_i32_0 = arith.constant 0 : i32
    %c0_i32_1 = arith.constant 0 : i32
    return %arg0, %c0_i32, %c0_i32_0 : i32, i32, i32
  }
  func.func @transform_5(%arg0: i32) -> (i32, i32, i32) {
    %c0_i32 = arith.constant 0 : i32
    %c0_i32_0 = arith.constant 0 : i32
    %c0_i32_1 = arith.constant 0 : i32
    return %arg0, %c0_i32, %c0_i32_0 : i32, i32, i32
  }
}

</mosaic_0001>

<sc_bundles>
// kernel: kernel.6.cloned.1.call-start
scs
__scs_entry_jumppad:
0x0: {  	(pc) =	sbr.rel $0x88, $3  }
0x1: {  	(tag) =	ssettag $0x0;
	lr =	simm.s32 $0x1  }
0x2: {  	[smem:$0x3F9F] =	sst lr;
	_ =	strace $0xD0000000  }
0x3: {  	_ = 	snop  }
0x4: {  	_ = 	snop  }
0x5: {  	_ = 	snop  }
0x6: {  	_ = 	snop  }
0x7: {  	_ = 	snop  }
__scs_overlays_trampoline_lowered:
0x8: {  	[smem:$0x3FAE] =	sst s0  }
0x9: {  	[smem:$0x3FAF] =	sst s1  }
0xa: {  	[smem:$0x3FB0] =	sst s2  }
0xb: {  	[smem:$0x3FB1] =	sst s3  }
0xc: {  	[smem:$0x3FB2] =	sst s4  }
0xd: {  	[smem:$0x3FB3] =	sst s5  }
0xe: {  	[smem:$0x3FB4] =	sst s6  }
0xf: {  	[smem:$0x3FB5] =	sst s7  }
0x10: {  	[smem:$0x3FB6] =	sst s8  }
0x11: {  	[smem:$0x3FB7] =	sst s9;
	s0 =	simm.s32 @!p0 $0x0  }
0x12: {  	s1 =	sld [smem:$0x3F9D];
	s0 =	simm.s32 @p0 $0x1  }
0x13: {  	[smem:$0x3FB8] =	sst s0;
	s0 =	simm.s32 @!p1 $0x0  }
0x14: {  	s2 =	sld [smem:$0x3F9C];
	s0 =	simm.s32 @p1 $0x1  }
0x15: {  	[smem:$0x3FB9] =	sst s0;
	s0 =	simm.s32 @!p2 $0x0  }
0x16: {  	s3 =	sld [smem:$0x3FDB];
	s0 =	simm.s32 @p2 $0x1  }
0x17: {  	s4 =	simm.s32 $0x1BF5;
	[smem:$0x3FBB] =	sst s0  }
0x18: {  	s0 =	sld [smem:$0x3F9E];
	_ =	swait.ge [sflag:s4], $0x0  }
0x19: {  	s7 =	sld [smem:$0x3F9F]  }
0x1a: {  	s8 =	sadd.s32 $0xFFFFE003, lr  }
0x1b: {  	s9 =	sadd.s32 $0xFFFFFEF7, lr;
	s5 =	simm.s32 $0xFFFFFFFF;
	p2 =	slt.u32 s8, $0xFFFFF086  }
0x1c: {  	p1 =	slt.u32 s9, $0xF7A;
	s5 =	simm.s32 @!p2 $0x0  }
0x1d: {  	s5 =	simm.s32 @p1 $0x1;
	p0 =	seq.s32 s7, s2  }
0x1e: {  	s7 =	smul.u32 @!p0 $0xF7A, s2;
	p2 =	seq.s32 @!p0 s5, $0x0  }
0x1f: {  	s9 =	smul.u32 $0xF7A, s1;
	s8 =	simm.s32 @!p0 $0x1BF5;
	p2 =	por !p2, p0  }
0x20: {  	[sflag:s8] =	ssyncset.s32 @!p0 $0xFFFFF086;
	s6 =	sadd.s32 @!p0 s3, s7;
	s7 =	simm.s32 @!p0 $0x108  }
0x21: {  	s3 =	sadd.s32 s3, s9;
	s6 =	sadd.s32 @!p0 $0x88, s6;
	s7 =	simm.s32 @p2 $0x1082  }
0x22: {  	[simem:s7], [sflag:s8] =	dma.local @!p0 [hbm:s6], $0xF7A  }
0x23: {  	s9 =	sor.u32 $0xD0000000, s2;
	s6 =	simm.s32 $0x108;
	_ =	swait.ge @!p0 [sflag:s8], $0x0  }
0x24: {  	s3 =	sadd.s32 $0x88, s3;
	s6 =	simm.s32 @!p1 $0x1082;
	[sflag:s4] =	ssyncset.s32 $0xFFFFF086  }
0x25: {  	[simem:s6], [sflag:s4] =	dma.local [hbm:s3], $0xF7A  }
0x26: {  	[smem:$0x3F9F] =	sst s1;
	(tag) =	ssettag s2;
	_ =	strace s9  }
0x27: {  	s1 =	sld [smem:$0x3FAF]  }
0x28: {  	s2 =	sld [smem:$0x3FB0]  }
0x29: {  	s4 =	sld [smem:$0x3FB2]  }
0x2a: {  	p0 =	seq.s32 s5, $0x0;
	s5 =	sld [smem:$0x3FB3]  }
0x2b: {  	s6 =	sld [smem:$0x3FB4]  }
0x2c: {  	s7 =	sld [smem:$0x3FB5]  }
0x2d: {  	s3 =	simm.s32 $0x108;
	s8 =	sld [smem:$0x3FB6]  }
0x2e: {  	s3 =	simm.s32 @!p0 $0x1082;
	s9 =	sld [smem:$0x3FB7]  }
0x2f: {  	lr =	sadd.s32 s0, s3;
	s0 =	sld [smem:$0x3FAE]  }
0x30: {  	s3 =	sld [smem:$0x3FB1]  }
0x31: {  	[smem:$0x3FBA] =	sst s10  }
0x32: {  	s10 =	sld [smem:$0x3FB8];
	_ =	sdelay $0x3  }
0x33: {  	p0 =	seq.s32 s10, $0x1;
	s10 =	sld [smem:$0x3FBA];
	_ =	sdelay $0x3  }
0x34: {  	[smem:$0x3FBA] =	sst s10  }
0x35: {  	s10 =	sld [smem:$0x3FB9];
	_ =	sdelay $0x3  }
0x36: {  	p1 =	seq.s32 s10, $0x1;
	s10 =	sld [smem:$0x3FBA];
	_ =	sdelay $0x3  }
0x37: {  	[smem:$0x3FBA] =	sst s10  }
0x38: {  	s10 =	sld [smem:$0x3FBB]  }
0x39: {  	_ = 	snop;
	(pc) =	sbr.ind lr, $3  }
0x3a: {  	_ = 	snop  }
0x3b: {  	_ = 	snop  }
0x3c: {  	p2 =	seq.s32 s10, $0x1;
	s10 =	sld [smem:$0x3FBA]  }
0x3d: {  	_ =	shalt  }
0x3e: {  	_ =	shalt  }
0x3f: {  	_ =	shalt  }
0x40: {  	_ =	shalt  }
0x41: {  	_ =	shalt  }
0x42: {  	_ =	shalt  }
0x43: {  	_ =	shalt  }
0x44: {  	_ =	shalt  }
0x45: {  	_ =	shalt  }
0x46: {  	_ =	shalt  }
0x47: {  	_ =	shalt  }
0x48: {  	_ =	shalt  }
0x49: {  	_ =	shalt  }
0x4a: {  	_ =	shalt  }
0x4b: {  	_ =	shalt  }
0x4c: {  	_ =	shalt  }
0x4d: {  	_ =	shalt  }
0x4e: {  	_ =	shalt  }
0x4f: {  	_ =	shalt  }
0x50: {  	_ =	shalt  }
0x51: {  	_ =	shalt  }
0x52: {  	_ =	shalt  }
0x53: {  	_ =	shalt  }
0x54: {  	_ =	shalt  }
0x55: {  	_ =	shalt  }
0x56: {  	_ =	shalt  }
0x57: {  	_ =	shalt  }
0x58: {  	_ =	shalt  }
0x59: {  	_ =	shalt  }
0x5a: {  	_ =	shalt  }
0x5b: {  	_ =	shalt  }
0x5c: {  	_ =	shalt  }
0x5d: {  	_ =	shalt  }
0x5e: {  	_ =	shalt  }
0x5f: {  	_ =	shalt  }
0x60: {  	_ =	shalt  }
0x61: {  	_ =	shalt  }
0x62: {  	_ =	shalt  }
0x63: {  	_ =	shalt  }
0x64: {  	_ =	shalt  }
0x65: {  	_ =	shalt  }
0x66: {  	_ =	shalt  }
0x67: {  	_ =	shalt  }
0x68: {  	_ =	shalt  }
0x69: {  	_ =	shalt  }
0x6a: {  	_ =	shalt  }
0x6b: {  	_ =	shalt  }
0x6c: {  	_ =	shalt  }
0x6d: {  	_ =	shalt  }
0x6e: {  	_ =	shalt  }
0x6f: {  	_ =	shalt  }
0x70: {  	_ =	shalt  }
0x71: {  	_ =	shalt  }
0x72: {  	_ =	shalt  }
0x73: {  	_ =	shalt  }
0x74: {  	_ =	shalt  }
0x75: {  	_ =	shalt  }
0x76: {  	_ =	shalt  }
0x77: {  	_ =	shalt  }
0x78: {  	_ =	shalt  }
0x79: {  	_ =	shalt  }
0x7a: {  	_ =	shalt  }
0x7b: {  	_ =	shalt  }
0x7c: {  	_ =	shalt  }
0x7d: {  	_ =	shalt  }
0x7e: {  	_ =	shalt  }
0x7f: {  	_ =	shalt  }
0x80: {  	_ =	shalt  }
0x81: {  	_ =	shalt  }
0x82: {  	_ =	shalt  }
0x83: {  	_ =	shalt  }
0x84: {  	_ =	shalt  }
0x85: {  	_ =	shalt  }
0x86: {  	_ =	shalt  }
0x87: {  	_ =	shalt  }
.Lfunc_end0:
.L_simem_size_0:
called_computation_lowered:
.L_overlay_start_0:
0x88: {  	s2 =	sld [smem:$0x3FD9]  }
0x89: {  	s3 =	sld [smem:$0x3FFE];
	_ =	sdelay $0x1  }
0x8a: {  	s1 =	srdreg.scid  }
0x8b: {  	s0 =	sand.u32 $0x1, s1  }
0x8c: {  	s17 =	sshll.u32 s0, $0xA;
	s2 =	sadd.s32 s3, s2  }
0x8d: {  	s2 =	sadd.s32 s2, s17  }
0x8e: {  	[smem:$0x3FC6] =	sst s2  }
0x8f: {  	_ = 	snop  }
0x90: {  	s18 =	sld [smem:$0x3FC8];
	(tm) =	ssettm $0x1  }
0x91: {  	s19 =	sld [smem:$0x3FFB];
	_ =	sdelay $0x3  }
0x92: {  	_ =	strace s19  }
0x93: {  	s2 =	sld [smem:$0x3FFC];
	_ =	sdelay $0x3  }
0x94: {  	_ =	strace s2  }
0x95: {  	s2 =	sld [smem:$0x3FFD];
	_ =	sdelay $0x3  }
0x96: {  	_ =	strace s2  }
0x97: {  	_ =	strace $0x8FFFFFFF  }
0x98: {  	s20 =	sld [smem:$0x3FDB];
	_ =	sdelay $0x1  }
0x99: {  	s4 =	simm.s32 $_scs_section_size  }
0x9a: {  	s5 =	simm.s32 $_size__tile_overlayer_lowered;
	s6 =	simm.s32 $_tile_overlayer_lowered  }
0x9b: {  	s7 =	simm.s32 $0x1BFF;
	s21 =	sshll.u32 s6, $0x1;
	s4 =	sadd.s32 s4, s20  }
0x9c: {  	s22 =	simm.s32 $0x0;
	s5 =	sshll.u32 s5, $0x1;
	s6 =	sadd.s32 s21, s4  }
0x9d: {  	[timem:s22], [sflag:s7] =	dma.local [hbm:s6], s5  }
0x9e: {  	_ =	swait.ge [sflag:s7], s5  }
0x9f: {  	s5 =	ssub.s32 $0x0, s5;
	[sflag:s7] =	ssyncset.done $0x0  }
0xa0: {  	[sflag:s7] =	ssyncadd.s32 s5;
	_ =	sdelay $0x1  }
0xa1: {  	s23 =	simm.s32 $0x1B8B  }
0xa2: {  	_ =	swait.ge [sflag:s23], $0x1  }
0xa3: {  	[sflag:s23] =	ssyncset.done $0x0  }
0xa4: {  	[sflag:s23] =	ssyncadd.s32 $0xFFFFFFFF  }
0xa5: {  	s5 =	sld [smem:$0x0]  }
0xa6: {  	s6 =	sand.u32 $0xFFFFFFFE, s1  }
0xa7: {  	p0 =	sne.s32 s1, s6  }
0xa8: {  	s6 =	sshll.u32 @p0 s6, $0xE  }
0xa9: {  	s6 =	sadd.s32 @p0 $0x11B8D, s6;
	s7 =	sshll.u32 @p0 s5, $0x11  }
0xaa: {  	s6 =	sor.u32 @p0 s7, s6  }
0xab: {  	[sflag:s6] =	ssyncadd.remote.s32 @p0 $0x1;
	_ =	sdelay $0x1  }
0xac: {  	s6 =	simm.s32 @p0 $0x1B8D  }
0xad: {  	_ =	swait.eq @p0 [sflag:s6], $0x1  }
0xae: {  	[sflag:s6] =	ssyncadd.s32 @p0 $0xFFFFFFFF  }
0xaf: {  	s7 =	sshll.u32 @!p0 s1, $0xE  }
0xb0: {  	s7 =	sor.u32 @!p0 $0x4000, s7;
	s6 =	simm.s32 @!p0 $0x1B8D  }
0xb1: {  	s5 =	sshll.u32 @!p0 s5, $0x11;
	s7 =	sadd.s32 @!p0 $0x11B8D, s7;
	_ =	swait.eq @!p0 [sflag:s6], $0x1  }
0xb2: {  	s5 =	sor.u32 @!p0 s5, s7;
	[sflag:s6] =	ssyncadd.s32 @!p0 $0xFFFFFFFF  }
0xb3: {  	s25 =	simm.s32 $0x1B8E;
	s24 =	sld [smem:$0x3FFE];
	[sflag:s5] =	ssyncadd.remote.s32 @!p0 $0x1  }
0xb4: {  	s26 =	simm.s32 $execute0_lowered;
	[smem:$0x3FD2] =	sst s25  }
0xb5: {  	s6 =	sshll.u32 s26, $0x1;
	_ =	strace $0x80000049;
	[dreg:$0x1] =	wrdreg $0xFFFFFFFF  }
0xb6: {  	s28 =	simm.s32 $_size_execute0_lowered;
	s4 =	sadd.s32 s4, s6;
	[dreg:$0x0] =	wrdreg $0x0  }
0xb7: {  	s6 =	sshll.u32 s28, $0x1;
	[dreg:$0x2] =	wrdreg s4  }
0xb8: {  	[dreg:$0x3] =	wrdreg s6  }
0xb9: {  	[dreg:$0x4] =	wrdreg $0xC0  }
0xba: {  	_ =	task [dreg:s22], $0x5FFFF  }
0xbb: {  	[dreg:$0x1] =	wrdreg $0xFFFFFFFF  }
0xbc: {  	[dreg:$0x0] =	wrdreg $0x60  }
0xbd: {  	[dreg:$0x2] =	wrdreg s18  }
0xbe: {  	[dreg:$0x3] =	wrdreg s24  }
0xbf: {  	[dreg:$0x4] =	wrdreg $0x9  }
0xc0: {  	_ =	task.clear_ibuf [dreg:s22], $0x5FFFF;
	_ =	strace $0x90000049  }
0xc1: {  	s29 =	simm.s32 $0x9;
	_ =	strace $0x8000004B  }
0xc2: {  	_ =	swait.ge [sflag:s29], $0x1  }
0xc3: {  	[sflag:s29] =	ssyncadd.s32 $0xFFFFFFFF  }
0xc4: {  	_ =	strace $0x9000004B  }
0xc5: {  	_ =	sfence  }
0xc6: {  	s30 =	sld [smem:$0x0];
	_ =	sdelay $0x2  }
0xc7: {  	s31 =	sshll.u32 s1, $0xD;
	s1 =	sshrl.u32 s1, $0x2  }
0xc8: {  	s4 =	sand.u32 $0x4000, s31;
	s1 =	sadd.s32 s1, s30  }
0xc9: {  	s0 =	sor.u32 s4, s0;
	s1 =	sshll.u32 s1, $0x11  }
0xca: {  	s0 =	sor.u32 s1, s0  }
0xcb: {  	s0 =	sadd.s32 $0x8F2B, s0  }
0xcc: {  	[sflag:s0] =	ssyncadd.remote.s32 $0x1  }
0xcd: {  	_ =	sfence.sel $0xFFFF  }
0xce: {  	[dreg:$0x0] =	wrdreg $0xFFFFFFFF;
	(pc) =	sbr.abs _section_cstart, $3  }
0xcf: {  	[dreg:$0x1] =	wrdreg $0xFFFFFFFF  }
0xd0: {  	_ =	task.clear_ibuf [dreg:s22], $0x2FFFF;
	_ =	strace $0x9FFFFFFF  }
0xd1: {  	(tm) =	ssettm $0x7FFFFFFF  }
tec
execute0_lowered:
.L_overlay_start_1:
0x0: {  	(tag) =	ssettag $0x1  }
0x1: {  	s1 =	rddreg [dreg:$0x0]  }
0x2: {  	s4 =	rddreg [dreg:$0x1]  }
0x3: {  	s0 =	rddreg [dreg:$0x2]  }
0x4: {  	s3 =	simm.s32 $0x0;
	s5 =	srdreg.scid;
	s2 =	stileid.u32  }
0x5: {  	s9 =	simm.s32 $0x880;
	s10 =	simm.s32 $0x1080;
	s11 =	simm.s32 $0x1880  }
0x6: {  	s12 =	simm.s32 $0x2080;
	s13 =	simm.s32 $0x2880;
	s14 =	simm.s32 $0x3080  }
0x7: {  	s15 =	simm.s32 $0x3880;
	s16 =	simm.s32 $0x4080;
	s17 =	simm.s32 $0x4880  }
0x8: {  	s18 =	simm.s32 $0x5080;
	s19 =	simm.s32 $0x5880;
	s20 =	simm.s32 $0x6080  }
0x9: {  	s21 =	simm.s32 $0x6880;
	s22 =	simm.s32 $0x7080;
	s23 =	simm.s32 $0x7880  }
0xa: {  	[smem:$0x7FF] =	sst s3;
	s5 =	sand.u32 $0x1, s5;
	s6 =	sshll.u32 s2, $0x1  }
0xb: {  	s24 =	simm.s32 $0x1;
	_ =	strace $0x8000004A;
	s6 =	sor.u32 s5, s6  }
0xc: {  	s5 =	ssub.s32 $0x2, s5;
	s7 =	sshll.u32 s6, $0x4;
	s6 =	sshll.u32 s6, $0xC  }
0xd: {  	v2 =	vlaneseq.u32;
	s8 =	sshrl.u32 s5, $0x1;
	s7 =	sadd.s32 s7, s4;
	s6 =	sadd.s32 s6, s4  }
0xe: {  	vm0 =	vmmov $0xffff;
	v1 =	vshrl.u32 v2, $0x3;
	s8 =	ssub.s32 s5, s8;
	s4 =	sadd.s32 $0x21200, s7;
	s5 =	sadd.s32 $0x21400, s6  }
0xf: {  	v0 =	vand.u32 $0x7, v2;
	v2 =	vor.u32 $0x8, v2;
	v1 =	vmul.u32 $0x8, v1;
	s6 =	smax.u32 s8, $0x1;
	s7 =	simm.s32 $0x2;
	s8 =	simm.s32 $0x80  }
.LBB2_1:
0x10: {  	[tilespmem:s3], [sflag:$0x2] =	stream.linear.gather [hbm4b:s4+s3], $0x80, $0x38;
	[tilespmem:$0x8080] =	vst v63  }
0x11: {  	_ =	swait.ge [sflag:s7], $0x80  }
0x12: {  	[sflag:s7] =	ssyncset.done $0x0  }
0x13: {  	[sflag:s7] =	ssyncadd.s32 $0xFFFFFF80  }
0x14: {  	v3 =	vld [tilespmem:$0x0];
	_ =	sdelay $0x4  }
0x15: {  	v4 =	vshll.u32 v3, $0x1  }
0x16: {  	v3 =	vand.u32 $0x7, v3;
	v4 =	vand.u32 $0xFFFFFFF0, v4  }
0x17: {  	v3 =	vor.u32 v3, v4  }
0x18: {  	v4 =	vperm.xlane v3, v0;
	_ =	sdelay $0x1  }
0x19: {  	v3 =	vperm.xlane v3, v2;
	v4 =	vadd.s32 v1, v4;
	_ =	sdelay $0x1  }
0x1a: {  	v3 =	vadd.s32 v1, v3;
	_ =	sdelay $0x2  }
0x1b: {  	[tilespmem:s8], [sflag:$0x1] =	stream.indirect_vreg.gather [hbm4b:s1+s3], $0x80, v4, vm0, $0xb8;
	[tilespmem:$0x8080] =	vst v63  }
0x1c: {  	_ = 	snop  }
0x1d: {  	[tilespmem:s9], [sflag:$0x1] =	stream.indirect_vreg.gather [hbm4b:s1+s3], $0x80, v3, vm0, $0xb8;
	[tilespmem:$0x8080] =	vst v63  }
0x1e: {  	v3 =	vld [tilespmem:$0x10];
	_ =	sdelay $0x4  }
0x1f: {  	v57 =	vshll.u32 v3, $0x1  }
0x20: {  	v3 =	vand.u32 $0x7, v3;
	v4 =	vand.u32 $0xFFFFFFF0, v57  }
0x21: {  	v3 =	vor.u32 v3, v4  }
0x22: {  	v4 =	vperm.xlane v3, v0;
	_ =	sdelay $0x1  }
0x23: {  	v3 =	vperm.xlane v3, v2;
	v4 =	vadd.s32 v1, v4;
	_ =	sdelay $0x1  }
0x24: {  	v3 =	vadd.s32 v1, v3;
	_ =	sdelay $0x2  }
0x25: {  	[tilespmem:s10], [sflag:$0x1] =	stream.indirect_vreg.gather [hbm4b:s1+s3], $0x80, v4, vm0, $0xb8;
	[tilespmem:$0x8080] =	vst v63  }
0x26: {  	_ = 	snop  }
0x27: {  	[tilespmem:s11], [sflag:$0x1] =	stream.indirect_vreg.gather [hbm4b:s1+s3], $0x80, v3, vm0, $0xb8;
	[tilespmem:$0x8080] =	vst v63  }
0x28: {  	v3 =	vld [tilespmem:$0x20];
	_ =	sdelay $0x4  }
0x29: {  	v58 =	vshll.u32 v3, $0x1  }
0x2a: {  	v3 =	vand.u32 $0x7, v3;
	v4 =	vand.u32 $0xFFFFFFF0, v58  }
0x2b: {  	v3 =	vor.u32 v3, v4  }
0x2c: {  	v4 =	vperm.xlane v3, v0;
	_ =	sdelay $0x1  }
0x2d: {  	v3 =	vperm.xlane v3, v2;
	v4 =	vadd.s32 v1, v4;
	_ =	sdelay $0x1  }
0x2e: {  	v3 =	vadd.s32 v1, v3;
	_ =	sdelay $0x2  }
0x2f: {  	[tilespmem:s12], [sflag:$0x1] =	stream.indirect_vreg.gather [hbm4b:s1+s3], $0x80, v4, vm0, $0xb8;
	[tilespmem:$0x8080] =	vst v63  }
0x30: {  	_ = 	snop  }
0x31: {  	[tilespmem:s13], [sflag:$0x1] =	stream.indirect_vreg.gather [hbm4b:s1+s3], $0x80, v3, vm0, $0xb8;
	[tilespmem:$0x8080] =	vst v63  }
0x32: {  	v3 =	vld [tilespmem:$0x30];
	_ =	sdelay $0x4  }
0x33: {  	v59 =	vshll.u32 v3, $0x1  }
0x34: {  	v3 =	vand.u32 $0x7, v3;
	v4 =	vand.u32 $0xFFFFFFF0, v59  }
0x35: {  	v3 =	vor.u32 v3, v4  }
0x36: {  	v4 =	vperm.xlane v3, v0;
	_ =	sdelay $0x1  }
0x37: {  	v3 =	vperm.xlane v3, v2;
	v4 =	vadd.s32 v1, v4;
	_ =	sdelay $0x1  }
0x38: {  	v3 =	vadd.s32 v1, v3;
	_ =	sdelay $0x2  }
0x39: {  	[tilespmem:s14], [sflag:$0x1] =	stream.indirect_vreg.gather [hbm4b:s1+s3], $0x80, v4, vm0, $0xb8;
	[tilespmem:$0x8080] =	vst v63  }
0x3a: {  	_ = 	snop  }
0x3b: {  	[tilespmem:s15], [sflag:$0x1] =	stream.indirect_vreg.gather [hbm4b:s1+s3], $0x80, v3, vm0, $0xb8;
	[tilespmem:$0x8080] =	vst v63  }
0x3c: {  	v3 =	vld [tilespmem:$0x40];
	_ =	sdelay $0x4  }
0x3d: {  	v60 =	vshll.u32 v3, $0x1  }
0x3e: {  	v3 =	vand.u32 $0x7, v3;
	v4 =	vand.u32 $0xFFFFFFF0, v60  }
0x3f: {  	v3 =	vor.u32 v3, v4  }
0x40: {  	v4 =	vperm.xlane v3, v0;
	_ =	sdelay $0x1  }
0x41: {  	v3 =	vperm.xlane v3, v2;
	v4 =	vadd.s32 v1, v4;
	_ =	sdelay $0x1  }
0x42: {  	v3 =	vadd.s32 v1, v3;
	_ =	sdelay $0x2  }
0x43: {  	[tilespmem:s16], [sflag:$0x1] =	stream.indirect_vreg.gather [hbm4b:s1+s3], $0x80, v4, vm0, $0xb8;
	[tilespmem:$0x8080] =	vst v63  }
0x44: {  	_ = 	snop  }
0x45: {  	[tilespmem:s17], [sflag:$0x1] =	stream.indirect_vreg.gather [hbm4b:s1+s3], $0x80, v3, vm0, $0xb8;
	[tilespmem:$0x8080] =	vst v63  }
0x46: {  	v3 =	vld [tilespmem:$0x50];
	_ =	sdelay $0x4  }
0x47: {  	v61 =	vshll.u32 v3, $0x1  }
0x48: {  	v3 =	vand.u32 $0x7, v3;
	v4 =	vand.u32 $0xFFFFFFF0, v61  }
0x49: {  	v3 =	vor.u32 v3, v4  }
0x4a: {  	v4 =	vperm.xlane v3, v0;
	_ =	sdelay $0x1  }
0x4b: {  	v3 =	vperm.xlane v3, v2;
	v4 =	vadd.s32 v1, v4;
	_ =	sdelay $0x1  }
0x4c: {  	v3 =	vadd.s32 v1, v3;
	_ =	sdelay $0x2  }
0x4d: {  	[tilespmem:s18], [sflag:$0x1] =	stream.indirect_vreg.gather [hbm4b:s1+s3], $0x80, v4, vm0, $0xb8;
	[tilespmem:$0x8080] =	vst v63  }
0x4e: {  	_ = 	snop  }
0x4f: {  	[tilespmem:s19], [sflag:$0x1] =	stream.indirect_vreg.gather [hbm4b:s1+s3], $0x80, v3, vm0, $0xb8;
	[tilespmem:$0x8080] =	vst v63  }
0x50: {  	v3 =	vld [tilespmem:$0x60];
	_ =	sdelay $0x4  }
0x51: {  	v62 =	vshll.u32 v3, $0x1  }
0x52: {  	v3 =	vand.u32 $0x7, v3;
	v4 =	vand.u32 $0xFFFFFFF0, v62  }
0x53: {  	v3 =	vor.u32 v3, v4  }
0x54: {  	v4 =	vperm.xlane v3, v0;
	_ =	sdelay $0x1  }
0x55: {  	v3 =	vperm.xlane v3, v2;
	v4 =	vadd.s32 v1, v4;
	_ =	sdelay $0x1  }
0x56: {  	v3 =	vadd.s32 v1, v3;
	_ =	sdelay $0x2  }
0x57: {  	[tilespmem:s20], [sflag:$0x1] =	stream.indirect_vreg.gather [hbm4b:s1+s3], $0x80, v4, vm0, $0xb8;
	[tilespmem:$0x8080] =	vst v63  }
0x58: {  	_ = 	snop  }
0x59: {  	[tilespmem:s21], [sflag:$0x1] =	stream.indirect_vreg.gather [hbm4b:s1+s3], $0x80, v3, vm0, $0xb8;
	[tilespmem:$0x8080] =	vst v63  }
0x5a: {  	v3 =	vld [tilespmem:$0x70];
	_ =	sdelay $0x4  }
0x5b: {  	v63 =	vshll.u32 v3, $0x1  }
0x5c: {  	v3 =	vand.u32 $0x7, v3;
	v4 =	vand.u32 $0xFFFFFFF0, v63  }
0x5d: {  	v3 =	vor.u32 v3, v4  }
0x5e: {  	v4 =	vperm.xlane v3, v0;
	_ =	sdelay $0x1  }
0x5f: {  	v3 =	vperm.xlane v3, v2;
	v4 =	vadd.s32 v1, v4;
	_ =	sdelay $0x1  }
0x60: {  	v3 =	vadd.s32 v1, v3;
	_ =	sdelay $0x2  }
0x61: {  	[tilespmem:s22], [sflag:$0x1] =	stream.indirect_vreg.gather [hbm4b:s1+s3], $0x80, v4, vm0, $0xb8;
	[tilespmem:$0x8080] =	vst v63  }
0x62: {  	_ = 	snop  }
0x63: {  	[tilespmem:s23], [sflag:$0x1] =	stream.indirect_vreg.gather [hbm4b:s1+s3], $0x80, v3, vm0, $0xb8;
	[tilespmem:$0x8080] =	vst v63  }
0x64: {  	_ =	swait.ge [sflag:s24], $0x8000  }
0x65: {  	p0 =	sne.s32 s6, $0x1;
	[sflag:s24] =	ssyncset.done $0x0  }
.Ltmp0:
0x66: {  	[sflag:s24] =	ssyncadd.s32 $0xFFFF8000;
	(pc) =	sbr.rel @p0 .LBB2_1-.Ltmp0, $4  }
0x67: {  	[hbm4b:s5+s3] =	stream.linear.scatter [tilespmem:s8], [sflag:$0x2], $0x8000, $0x38;
	[tilespmem:$0x8080] =	vst v63  }
0x68: {  	_ =	swait.ge [sflag:s7], $0x8000  }
0x69: {  	[sflag:s7] =	ssyncset.done $0x0  }
0x6a: {  	s6 =	sadd.s32 $0xFFFFFFFF, s6;
	[sflag:s7] =	ssyncadd.s32 $0xFFFF8000  }
0x6b: {  	_ =	sfence.sel $0x180000  }
0x6c: {  	[bflag:$0x0] =	sbarrier.arrive $0xFFFF  }
0x6d: {  	p0 =	sne.s32 s2, $0x0;
	_ =	strace $0x9000004A  }
0x6e: {  	s0 =	sadd.s32 @!p0 $0x100000, s0;
	[bflag:$0x2] =	sbarrier.arrive $0xFFFF  }
0x6f: {  	[sflag:s0] =	ssyncadd.tile.s32 @!p0 $0x1;
	_ =	shalt  }
.Lfunc_end2:
_tile_overlayer_lowered:
.L_overlay_start_2:
0x70: {  	(tag) =	ssettag $0x2  }
0x71: {  	s0 =	rddreg [dreg:$0x0];
	s2 =	stileid.u32  }
0x72: {  	s1 =	rddreg [dreg:$0x1];
	p0 =	sne.s32 s2, $0x0  }
0x73: {  	s3 =	rddreg [dreg:$0x2];
	[bflag:$0x3] =	sbarrier.arrive $0xFFFF;
	s2 =	simm.s32 @!p0 $0x1C02  }
0x74: {  	[timem:s3], [sflag:s2] =	dma.local @!p0 [hbm:s0], s1  }
0x75: {  	s0 =	simm.s32 @!p0 $0x2  }
0x76: {  	_ =	swait.ge @!p0 [sflag:s0], s1  }
0x77: {  	s1 =	ssub.s32 @!p0 $0x0, s1;
	[sflag:s0] =	ssyncset.done @!p0 $0x0  }
0x78: {  	[sflag:s0] =	ssyncadd.s32 @!p0 s1  }
0x79: {  	[bflag:$0x3] =	sbarrier.arrive $0xFFFF  }
0x7a: {  	_ =	shalt  }

// kernel: kernel.9.cloned.1.call-start
scs
__scs_entry_jumppad:
0x0: {  	(pc) =	sbr.rel $0x88, $3  }
0x1: {  	(tag) =	ssettag $0x0;
	lr =	simm.s32 $0x1  }
0x2: {  	[smem:$0x3F9F] =	sst lr;
	_ =	strace $0xD0000000  }
0x3: {  	_ = 	snop  }
0x4: {  	_ = 	snop  }
0x5: {  	_ = 	snop  }
0x6: {  	_ = 	snop  }
0x7: {  	_ = 	snop  }
__scs_overlays_trampoline_lowered:
0x8: {  	[smem:$0x3FAE] =	sst s0  }
0x9: {  	[smem:$0x3FAF] =	sst s1  }
0xa: {  	[smem:$0x3FB0] =	sst s2  }
0xb: {  	[smem:$0x3FB1] =	sst s3  }
0xc: {  	[smem:$0x3FB2] =	sst s4  }
0xd: {  	[smem:$0x3FB3] =	sst s5  }
0xe: {  	[smem:$0x3FB4] =	sst s6  }
0xf: {  	[smem:$0x3FB5] =	sst s7  }
0x10: {  	[smem:$0x3FB6] =	sst s8  }
0x11: {  	[smem:$0x3FB7] =	sst s9;
	s0 =	simm.s32 @!p0 $0x0  }
0x12: {  	s1 =	sld [smem:$0x3F9D];
	s0 =	simm.s32 @p0 $0x1  }
0x13: {  	[smem:$0x3FB8] =	sst s0;
	s0 =	simm.s32 @!p1 $0x0  }
0x14: {  	s2 =	sld [smem:$0x3F9C];
	s0 =	simm.s32 @p1 $0x1  }
0x15: {  	[smem:$0x3FB9] =	sst s0;
	s0 =	simm.s32 @!p2 $0x0  }
0x16: {  	s3 =	sld [smem:$0x3FDB];
	s0 =	simm.s32 @p2 $0x1  }
0x17: {  	s4 =	simm.s32 $0x1BF5;
	[smem:$0x3FBB] =	sst s0  }
0x18: {  	s0 =	sld [smem:$0x3F9E];
	_ =	swait.ge [sflag:s4], $0x0  }
0x19: {  	s7 =	sld [smem:$0x3F9F]  }
0x1a: {  	s8 =	sadd.s32 $0xFFFFE003, lr  }
0x1b: {  	s9 =	sadd.s32 $0xFFFFFEF7, lr;
	s5 =	simm.s32 $0xFFFFFFFF;
	p2 =	slt.u32 s8, $0xFFFFF086  }
0x1c: {  	p1 =	slt.u32 s9, $0xF7A;
	s5 =	simm.s32 @!p2 $0x0  }
0x1d: {  	s5 =	simm.s32 @p1 $0x1;
	p0 =	seq.s32 s7, s2  }
0x1e: {  	s7 =	smul.u32 @!p0 $0xF7A, s2;
	p2 =	seq.s32 @!p0 s5, $0x0  }
0x1f: {  	s9 =	smul.u32 $0xF7A, s1;
	s8 =	simm.s32 @!p0 $0x1BF5;
	p2 =	por !p2, p0  }
0x20: {  	[sflag:s8] =	ssyncset.s32 @!p0 $0xFFFFF086;
	s6 =	sadd.s32 @!p0 s3, s7;
	s7 =	simm.s32 @!p0 $0x108  }
0x21: {  	s3 =	sadd.s32 s3, s9;
	s6 =	sadd.s32 @!p0 $0x88, s6;
	s7 =	simm.s32 @p2 $0x1082  }
0x22: {  	[simem:s7], [sflag:s8] =	dma.local @!p0 [hbm:s6], $0xF7A  }
0x23: {  	s9 =	sor.u32 $0xD0000000, s2;
	s6 =	simm.s32 $0x108;
	_ =	swait.ge @!p0 [sflag:s8], $0x0  }
0x24: {  	s3 =	sadd.s32 $0x88, s3;
	s6 =	simm.s32 @!p1 $0x1082;
	[sflag:s4] =	ssyncset.s32 $0xFFFFF086  }
0x25: {  	[simem:s6], [sflag:s4] =	dma.local [hbm:s3], $0xF7A  }
0x26: {  	[smem:$0x3F9F] =	sst s1;
	(tag) =	ssettag s2;
	_ =	strace s9  }
0x27: {  	s1 =	sld [smem:$0x3FAF]  }
0x28: {  	s2 =	sld [smem:$0x3FB0]  }
0x29: {  	s4 =	sld [smem:$0x3FB2]  }
0x2a: {  	p0 =	seq.s32 s5, $0x0;
	s5 =	sld [smem:$0x3FB3]  }
0x2b: {  	s6 =	sld [smem:$0x3FB4]  }
0x2c: {  	s7 =	sld [smem:$0x3FB5]  }
0x2d: {  	s3 =	simm.s32 $0x108;
	s8 =	sld [smem:$0x3FB6]  }
0x2e: {  	s3 =	simm.s32 @!p0 $0x1082;
	s9 =	sld [smem:$0x3FB7]  }
0x2f: {  	lr =	sadd.s32 s0, s3;
	s0 =	sld [smem:$0x3FAE]  }
0x30: {  	s3 =	sld [smem:$0x3FB1]  }
0x31: {  	[smem:$0x3FBA] =	sst s10  }
0x32: {  	s10 =	sld [smem:$0x3FB8];
	_ =	sdelay $0x3  }
0x33: {  	p0 =	seq.s32 s10, $0x1;
	s10 =	sld [smem:$0x3FBA];
	_ =	sdelay $0x3  }
0x34: {  	[smem:$0x3FBA] =	sst s10  }
0x35: {  	s10 =	sld [smem:$0x3FB9];
	_ =	sdelay $0x3  }
0x36: {  	p1 =	seq.s32 s10, $0x1;
	s10 =	sld [smem:$0x3FBA];
	_ =	sdelay $0x3  }
0x37: {  	[smem:$0x3FBA] =	sst s10  }
0x38: {  	s10 =	sld [smem:$0x3FBB]  }
0x39: {  	_ = 	snop;
	(pc) =	sbr.ind lr, $3  }
0x3a: {  	_ = 	snop  }
0x3b: {  	_ = 	snop  }
0x3c: {  	p2 =	seq.s32 s10, $0x1;
	s10 =	sld [smem:$0x3FBA]  }
0x3d: {  	_ =	shalt  }
0x3e: {  	_ =	shalt  }
0x3f: {  	_ =	shalt  }
0x40: {  	_ =	shalt  }
0x41: {  	_ =	shalt  }
0x42: {  	_ =	shalt  }
0x43: {  	_ =	shalt  }
0x44: {  	_ =	shalt  }
0x45: {  	_ =	shalt  }
0x46: {  	_ =	shalt  }
0x47: {  	_ =	shalt  }
0x48: {  	_ =	shalt  }
0x49: {  	_ =	shalt  }
0x4a: {  	_ =	shalt  }
0x4b: {  	_ =	shalt  }
0x4c: {  	_ =	shalt  }
0x4d: {  	_ =	shalt  }
0x4e: {  	_ =	shalt  }
0x4f: {  	_ =	shalt  }
0x50: {  	_ =	shalt  }
0x51: {  	_ =	shalt  }
0x52: {  	_ =	shalt  }
0x53: {  	_ =	shalt  }
0x54: {  	_ =	shalt  }
0x55: {  	_ =	shalt  }
0x56: {  	_ =	shalt  }
0x57: {  	_ =	shalt  }
0x58: {  	_ =	shalt  }
0x59: {  	_ =	shalt  }
0x5a: {  	_ =	shalt  }
0x5b: {  	_ =	shalt  }
0x5c: {  	_ =	shalt  }
0x5d: {  	_ =	shalt  }
0x5e: {  	_ =	shalt  }
0x5f: {  	_ =	shalt  }
0x60: {  	_ =	shalt  }
0x61: {  	_ =	shalt  }
0x62: {  	_ =	shalt  }
0x63: {  	_ =	shalt  }
0x64: {  	_ =	shalt  }
0x65: {  	_ =	shalt  }
0x66: {  	_ =	shalt  }
0x67: {  	_ =	shalt  }
0x68: {  	_ =	shalt  }
0x69: {  	_ =	shalt  }
0x6a: {  	_ =	shalt  }
0x6b: {  	_ =	shalt  }
0x6c: {  	_ =	shalt  }
0x6d: {  	_ =	shalt  }
0x6e: {  	_ =	shalt  }
0x6f: {  	_ =	shalt  }
0x70: {  	_ =	shalt  }
0x71: {  	_ =	shalt  }
0x72: {  	_ =	shalt  }
0x73: {  	_ =	shalt  }
0x74: {  	_ =	shalt  }
0x75: {  	_ =	shalt  }
0x76: {  	_ =	shalt  }
0x77: {  	_ =	shalt  }
0x78: {  	_ =	shalt  }
0x79: {  	_ =	shalt  }
0x7a: {  	_ =	shalt  }
0x7b: {  	_ =	shalt  }
0x7c: {  	_ =	shalt  }
0x7d: {  	_ =	shalt  }
0x7e: {  	_ =	shalt  }
0x7f: {  	_ =	shalt  }
0x80: {  	_ =	shalt  }
0x81: {  	_ =	shalt  }
0x82: {  	_ =	shalt  }
0x83: {  	_ =	shalt  }
0x84: {  	_ =	shalt  }
0x85: {  	_ =	shalt  }
0x86: {  	_ =	shalt  }
0x87: {  	_ =	shalt  }
.Lfunc_end0:
.L_simem_size_0:
called_computation.1_lowered:
.L_overlay_start_0:
0x88: {  	s2 =	sld [smem:$0x3FD9]  }
0x89: {  	s3 =	sld [smem:$0x3FFE];
	_ =	sdelay $0x1  }
0x8a: {  	s1 =	srdreg.scid  }
0x8b: {  	s0 =	sand.u32 $0x1, s1  }
0x8c: {  	s14 =	sshll.u32 s0, $0xA;
	s2 =	sadd.s32 s3, s2  }
0x8d: {  	s2 =	sadd.s32 s2, s14  }
0x8e: {  	[smem:$0x3FC6] =	sst s2  }
0x8f: {  	_ = 	snop  }
0x90: {  	s2 =	sld [smem:$0x3FD0];
	_ =	sdelay $0x2  }
0x91: {  	s4 =	simm.s32 $0xB;
	s5 =	simm.s32 $0x10;
	s15 =	sld [smem:$0x3FC8]  }
0x92: {  	[smem:s5], [sflag:s4] =	dma.local [hbm:s2], $0x1  }
0x93: {  	_ =	swait.eq [sflag:s4], $0x1  }
0x94: {  	[sflag:s4] =	ssyncset.done $0x0  }
0x95: {  	[sflag:s4] =	ssyncadd.s32 $0xFFFFFFFF  }
0x96: {  	s16 =	sld [smem:$0x10];
	(tm) =	ssettm $0x1  }
0x97: {  	s17 =	sld [smem:$0x3FFB];
	_ =	sdelay $0x3  }
0x98: {  	_ =	strace s17  }
0x99: {  	s4 =	sld [smem:$0x3FFC];
	_ =	sdelay $0x3  }
0x9a: {  	_ =	strace s4  }
0x9b: {  	s4 =	sld [smem:$0x3FFD];
	_ =	sdelay $0x3  }
0x9c: {  	_ =	strace s4  }
0x9d: {  	_ =	strace $0x8FFFFFFF  }
0x9e: {  	s18 =	sld [smem:$0x3FDB];
	_ =	sdelay $0x1  }
0x9f: {  	s19 =	simm.s32 $_scs_section_size  }
0xa0: {  	s6 =	simm.s32 $_size__tile_overlayer_lowered;
	s7 =	simm.s32 $_tile_overlayer_lowered  }
0xa1: {  	s22 =	simm.s32 $0x1BFF;
	s21 =	sshll.u32 s7, $0x1;
	s4 =	sadd.s32 s19, s18  }
0xa2: {  	s8 =	simm.s32 $0x0;
	s20 =	sshll.u32 s6, $0x1;
	s6 =	sadd.s32 s21, s4  }
0xa3: {  	[timem:s8], [sflag:s22] =	dma.local [hbm:s6], s20  }
0xa4: {  	_ =	swait.ge [sflag:s22], s20  }
0xa5: {  	s5 =	ssub.s32 $0x0, s20;
	[sflag:s22] =	ssyncset.done $0x0  }
0xa6: {  	[sflag:s22] =	ssyncadd.s32 s5;
	_ =	sdelay $0x1  }
0xa7: {  	s23 =	simm.s32 $0x1B8B  }
0xa8: {  	_ =	swait.ge [sflag:s23], $0x1  }
0xa9: {  	[sflag:s23] =	ssyncset.done $0x0  }
0xaa: {  	s25 =	simm.s32 $0x1B8E;
	s24 =	sld [smem:$0x3FFE];
	[sflag:s23] =	ssyncadd.s32 $0xFFFFFFFF  }
0xab: {  	s26 =	simm.s32 $execute0_lowered;
	[smem:$0x3FD2] =	sst s25  }
0xac: {  	s6 =	sshll.u32 s26, $0x1;
	_ =	strace $0x80000046;
	[dreg:$0x1] =	wrdreg $0xFFFFFFFF  }
0xad: {  	s28 =	simm.s32 $_size_execute0_lowered;
	s4 =	sadd.s32 s4, s6;
	[dreg:$0x0] =	wrdreg $0x0  }
0xae: {  	s6 =	sshll.u32 s28, $0x1;
	[dreg:$0x2] =	wrdreg s4  }
0xaf: {  	[dreg:$0x3] =	wrdreg s6  }
0xb0: {  	[dreg:$0x4] =	wrdreg $0xC0  }
0xb1: {  	_ =	task [dreg:s8], $0x5FFFF  }
0xb2: {  	[dreg:$0x1] =	wrdreg $0xFFFFFFFF  }
0xb3: {  	[dreg:$0x0] =	wrdreg $0x60  }
0xb4: {  	[dreg:$0x2] =	wrdreg s15  }
0xb5: {  	[dreg:$0x3] =	wrdreg s16  }
0xb6: {  	[dreg:$0x4] =	wrdreg s24  }
0xb7: {  	[dreg:$0x5] =	wrdreg $0xA  }
0xb8: {  	_ =	task.clear_ibuf [dreg:s8], $0x6FFFF;
	_ =	strace $0x90000046  }
0xb9: {  	s29 =	simm.s32 $0xA;
	_ =	strace $0x80000048  }
0xba: {  	_ =	swait.ge [sflag:s29], $0x1  }
0xbb: {  	[sflag:s29] =	ssyncadd.s32 $0xFFFFFFFF  }
0xbc: {  	_ =	strace $0x90000048  }
0xbd: {  	_ =	sfence  }
0xbe: {  	s30 =	sld [smem:$0x0];
	_ =	sdelay $0x2  }
0xbf: {  	s31 =	sshll.u32 s1, $0xD;
	s1 =	sshrl.u32 s1, $0x2  }
0xc0: {  	s3 =	sand.u32 $0x4000, s31;
	s1 =	sadd.s32 s1, s30  }
0xc1: {  	s0 =	sor.u32 s3, s0;
	s1 =	sshll.u32 s1, $0x11  }
0xc2: {  	s0 =	sor.u32 s1, s0  }
0xc3: {  	s0 =	sadd.s32 $0x8F2B, s0  }
0xc4: {  	[sflag:s0] =	ssyncadd.remote.s32 $0x1  }
0xc5: {  	_ =	sfence.sel $0xFFFF  }
0xc6: {  	[dreg:$0x0] =	wrdreg $0xFFFFFFFF;
	(pc) =	sbr.abs _section_cstart, $3  }
0xc7: {  	[dreg:$0x1] =	wrdreg $0xFFFFFFFF  }
0xc8: {  	_ =	task.clear_ibuf [dreg:s8], $0x2FFFF;
	_ =	strace $0x9FFFFFFF  }
0xc9: {  	(tm) =	ssettm $0x7FFFFFFF  }
tec
execute0_lowered:
.L_overlay_start_1:
0x0: {  	(tag) =	ssettag $0x1  }
0x1: {  	s1 =	rddreg [dreg:$0x0]  }
0x2: {  	s4 =	rddreg [dreg:$0x1]  }
0x3: {  	s5 =	rddreg [dreg:$0x2]  }
0x4: {  	s0 =	rddreg [dreg:$0x3]  }
0x5: {  	s6 =	srdreg.scid;
	s2 =	stileid.u32  }
0x6: {  	s3 =	simm.s32 $0x0;
	s10 =	simm.s32 $0x1080;
	s11 =	simm.s32 $0x1880  }
0x7: {  	s12 =	simm.s32 $0x2080;
	s13 =	simm.s32 $0x2880;
	s14 =	simm.s32 $0x3080  }
0x8: {  	s15 =	simm.s32 $0x3880;
	s16 =	simm.s32 $0x4080;
	s17 =	simm.s32 $0x4880  }
0x9: {  	s18 =	simm.s32 $0x5080;
	s19 =	simm.s32 $0x5880;
	s20 =	simm.s32 $0x6080  }
0xa: {  	s21 =	simm.s32 $0x6880;
	s22 =	simm.s32 $0x7080;
	s23 =	simm.s32 $0x7880  }
0xb: {  	s24 =	simm.s32 $0x1;
	s6 =	sand.u32 $0x1, s6;
	s7 =	sshll.u32 s2, $0x1  }
0xc: {  	[smem:$0x7FF] =	sst s3;
	s7 =	sor.u32 s6, s7;
	s6 =	ssub.s32 $0x2, s6  }
0xd: {  	_ =	strace $0x80000047;
	s8 =	sshll.u32 s7, $0xC;
	s9 =	sshrl.u32 s6, $0x1  }
0xe: {  	v2 =	vlaneseq.u32;
	s7 =	sshll.u32 s7, $0x4;
	s5 =	sadd.s32 s8, s5;
	s6 =	ssub.s32 s6, s9  }
0xf: {  	vm0 =	vmmov $0xffff;
	v1 =	vshrl.u32 v2, $0x3;
	s4 =	sadd.s32 s4, s7;
	s7 =	simm.s32 $0x2;
	s8 =	simm.s32 $0x80  }
0x10: {  	v0 =	vand.u32 $0x7, v2;
	v2 =	vor.u32 $0x8, v2;
	v1 =	vmul.u32 $0x8, v1;
	s9 =	simm.s32 $0x880;
	s5 =	sadd.s32 $0x1200, s5;
	s6 =	smax.u32 s6, $0x1  }
.LBB2_1:
0x11: {  	[tilespmem:s3], [sflag:$0x2] =	stream.linear.gather [hbm4b:s4+s3], $0x80, $0x38;
	[tilespmem:$0x8080] =	vst v63  }
0x12: {  	_ =	swait.ge [sflag:s7], $0x80  }
0x13: {  	[sflag:s7] =	ssyncset.done $0x0  }
0x14: {  	[sflag:s7] =	ssyncadd.s32 $0xFFFFFF80  }
0x15: {  	v3 =	vld [tilespmem:$0x0];
	_ =	sdelay $0x4  }
0x16: {  	v4 =	vshll.u32 v3, $0x1  }
0x17: {  	v3 =	vand.u32 $0x7, v3;
	v4 =	vand.u32 $0xFFFFFFF0, v4  }
0x18: {  	v3 =	vor.u32 v3, v4  }
0x19: {  	v4 =	vperm.xlane v3, v0;
	_ =	sdelay $0x1  }
0x1a: {  	v3 =	vperm.xlane v3, v2;
	v4 =	vadd.s32 v1, v4;
	_ =	sdelay $0x1  }
0x1b: {  	v3 =	vadd.s32 v1, v3;
	_ =	sdelay $0x2  }
0x1c: {  	[tilespmem:s8], [sflag:$0x1] =	stream.indirect_vreg.gather [hbm4b:s1+s3], $0x80, v4, vm0, $0xb8;
	[tilespmem:$0x8080] =	vst v63  }
0x1d: {  	_ = 	snop  }
0x1e: {  	[tilespmem:s9], [sflag:$0x1] =	stream.indirect_vreg.gather [hbm4b:s1+s3], $0x80, v3, vm0, $0xb8;
	[tilespmem:$0x8080] =	vst v63  }
0x1f: {  	v3 =	vld [tilespmem:$0x10];
	_ =	sdelay $0x4  }
0x20: {  	v57 =	vshll.u32 v3, $0x1  }
0x21: {  	v3 =	vand.u32 $0x7, v3;
	v4 =	vand.u32 $0xFFFFFFF0, v57  }
0x22: {  	v3 =	vor.u32 v3, v4  }
0x23: {  	v4 =	vperm.xlane v3, v0;
	_ =	sdelay $0x1  }
0x24: {  	v3 =	vperm.xlane v3, v2;
	v4 =	vadd.s32 v1, v4;
	_ =	sdelay $0x1  }
0x25: {  	v3 =	vadd.s32 v1, v3;
	_ =	sdelay $0x2  }
0x26: {  	[tilespmem:s10], [sflag:$0x1] =	stream.indirect_vreg.gather [hbm4b:s1+s3], $0x80, v4, vm0, $0xb8;
	[tilespmem:$0x8080] =	vst v63  }
0x27: {  	_ = 	snop  }
0x28: {  	[tilespmem:s11], [sflag:$0x1] =	stream.indirect_vreg.gather [hbm4b:s1+s3], $0x80, v3, vm0, $0xb8;
	[tilespmem:$0x8080] =	vst v63  }
0x29: {  	v3 =	vld [tilespmem:$0x20];
	_ =	sdelay $0x4  }
0x2a: {  	v58 =	vshll.u32 v3, $0x1  }
0x2b: {  	v3 =	vand.u32 $0x7, v3;
	v4 =	vand.u32 $0xFFFFFFF0, v58  }
0x2c: {  	v3 =	vor.u32 v3, v4  }
0x2d: {  	v4 =	vperm.xlane v3, v0;
	_ =	sdelay $0x1  }
0x2e: {  	v3 =	vperm.xlane v3, v2;
	v4 =	vadd.s32 v1, v4;
	_ =	sdelay $0x1  }
0x2f: {  	v3 =	vadd.s32 v1, v3;
	_ =	sdelay $0x2  }
0x30: {  	[tilespmem:s12], [sflag:$0x1] =	stream.indirect_vreg.gather [hbm4b:s1+s3], $0x80, v4, vm0, $0xb8;
	[tilespmem:$0x8080] =	vst v63  }
0x31: {  	_ = 	snop  }
0x32: {  	[tilespmem:s13], [sflag:$0x1] =	stream.indirect_vreg.gather [hbm4b:s1+s3], $0x80, v3, vm0, $0xb8;
	[tilespmem:$0x8080] =	vst v63  }
0x33: {  	v3 =	vld [tilespmem:$0x30];
	_ =	sdelay $0x4  }
0x34: {  	v59 =	vshll.u32 v3, $0x1  }
0x35: {  	v3 =	vand.u32 $0x7, v3;
	v4 =	vand.u32 $0xFFFFFFF0, v59  }
0x36: {  	v3 =	vor.u32 v3, v4  }
0x37: {  	v4 =	vperm.xlane v3, v0;
	_ =	sdelay $0x1  }
0x38: {  	v3 =	vperm.xlane v3, v2;
	v4 =	vadd.s32 v1, v4;
	_ =	sdelay $0x1  }
0x39: {  	v3 =	vadd.s32 v1, v3;
	_ =	sdelay $0x2  }
0x3a: {  	[tilespmem:s14], [sflag:$0x1] =	stream.indirect_vreg.gather [hbm4b:s1+s3], $0x80, v4, vm0, $0xb8;
	[tilespmem:$0x8080] =	vst v63  }
0x3b: {  	_ = 	snop  }
0x3c: {  	[tilespmem:s15], [sflag:$0x1] =	stream.indirect_vreg.gather [hbm4b:s1+s3], $0x80, v3, vm0, $0xb8;
	[tilespmem:$0x8080] =	vst v63  }
0x3d: {  	v3 =	vld [tilespmem:$0x40];
	_ =	sdelay $0x4  }
0x3e: {  	v60 =	vshll.u32 v3, $0x1  }
0x3f: {  	v3 =	vand.u32 $0x7, v3;
	v4 =	vand.u32 $0xFFFFFFF0, v60  }
0x40: {  	v3 =	vor.u32 v3, v4  }
0x41: {  	v4 =	vperm.xlane v3, v0;
	_ =	sdelay $0x1  }
0x42: {  	v3 =	vperm.xlane v3, v2;
	v4 =	vadd.s32 v1, v4;
	_ =	sdelay $0x1  }
0x43: {  	v3 =	vadd.s32 v1, v3;
	_ =	sdelay $0x2  }
0x44: {  	[tilespmem:s16], [sflag:$0x1] =	stream.indirect_vreg.gather [hbm4b:s1+s3], $0x80, v4, vm0, $0xb8;
	[tilespmem:$0x8080] =	vst v63  }
0x45: {  	_ = 	snop  }
0x46: {  	[tilespmem:s17], [sflag:$0x1] =	stream.indirect_vreg.gather [hbm4b:s1+s3], $0x80, v3, vm0, $0xb8;
	[tilespmem:$0x8080] =	vst v63  }
0x47: {  	v3 =	vld [tilespmem:$0x50];
	_ =	sdelay $0x4  }
0x48: {  	v61 =	vshll.u32 v3, $0x1  }
0x49: {  	v3 =	vand.u32 $0x7, v3;
	v4 =	vand.u32 $0xFFFFFFF0, v61  }
0x4a: {  	v3 =	vor.u32 v3, v4  }
0x4b: {  	v4 =	vperm.xlane v3, v0;
	_ =	sdelay $0x1  }
0x4c: {  	v3 =	vperm.xlane v3, v2;
	v4 =	vadd.s32 v1, v4;
	_ =	sdelay $0x1  }
0x4d: {  	v3 =	vadd.s32 v1, v3;
	_ =	sdelay $0x2  }
0x4e: {  	[tilespmem:s18], [sflag:$0x1] =	stream.indirect_vreg.gather [hbm4b:s1+s3], $0x80, v4, vm0, $0xb8;
	[tilespmem:$0x8080] =	vst v63  }
0x4f: {  	_ = 	snop  }
0x50: {  	[tilespmem:s19], [sflag:$0x1] =	stream.indirect_vreg.gather [hbm4b:s1+s3], $0x80, v3, vm0, $0xb8;
	[tilespmem:$0x8080] =	vst v63  }
0x51: {  	v3 =	vld [tilespmem:$0x60];
	_ =	sdelay $0x4  }
0x52: {  	v62 =	vshll.u32 v3, $0x1  }
0x53: {  	v3 =	vand.u32 $0x7, v3;
	v4 =	vand.u32 $0xFFFFFFF0, v62  }
0x54: {  	v3 =	vor.u32 v3, v4  }
0x55: {  	v4 =	vperm.xlane v3, v0;
	_ =	sdelay $0x1  }
0x56: {  	v3 =	vperm.xlane v3, v2;
	v4 =	vadd.s32 v1, v4;
	_ =	sdelay $0x1  }
0x57: {  	v3 =	vadd.s32 v1, v3;
	_ =	sdelay $0x2  }
0x58: {  	[tilespmem:s20], [sflag:$0x1] =	stream.indirect_vreg.gather [hbm4b:s1+s3], $0x80, v4, vm0, $0xb8;
	[tilespmem:$0x8080] =	vst v63  }
0x59: {  	_ = 	snop  }
0x5a: {  	[tilespmem:s21], [sflag:$0x1] =	stream.indirect_vreg.gather [hbm4b:s1+s3], $0x80, v3, vm0, $0xb8;
	[tilespmem:$0x8080] =	vst v63  }
0x5b: {  	v3 =	vld [tilespmem:$0x70];
	_ =	sdelay $0x4  }
0x5c: {  	v63 =	vshll.u32 v3, $0x1  }
0x5d: {  	v3 =	vand.u32 $0x7, v3;
	v4 =	vand.u32 $0xFFFFFFF0, v63  }
0x5e: {  	v3 =	vor.u32 v3, v4  }
0x5f: {  	v4 =	vperm.xlane v3, v0;
	_ =	sdelay $0x1  }
0x60: {  	v3 =	vperm.xlane v3, v2;
	v4 =	vadd.s32 v1, v4;
	_ =	sdelay $0x1  }
0x61: {  	v3 =	vadd.s32 v1, v3;
	_ =	sdelay $0x2  }
0x62: {  	[tilespmem:s22], [sflag:$0x1] =	stream.indirect_vreg.gather [hbm4b:s1+s3], $0x80, v4, vm0, $0xb8;
	[tilespmem:$0x8080] =	vst v63  }
0x63: {  	_ = 	snop  }
0x64: {  	[tilespmem:s23], [sflag:$0x1] =	stream.indirect_vreg.gather [hbm4b:s1+s3], $0x80, v3, vm0, $0xb8;
	[tilespmem:$0x8080] =	vst v63  }
0x65: {  	_ =	swait.ge [sflag:s24], $0x8000  }
0x66: {  	p0 =	sne.s32 s6, $0x1;
	[sflag:s24] =	ssyncset.done $0x0  }
.Ltmp0:
0x67: {  	[sflag:s24] =	ssyncadd.s32 $0xFFFF8000;
	(pc) =	sbr.rel @p0 .LBB2_1-.Ltmp0, $4  }
0x68: {  	[hbm4b:s5+s3] =	stream.linear.scatter [tilespmem:s8], [sflag:$0x2], $0x8000, $0x38;
	[tilespmem:$0x8080] =	vst v63  }
0x69: {  	_ =	swait.ge [sflag:s7], $0x8000  }
0x6a: {  	[sflag:s7] =	ssyncset.done $0x0  }
0x6b: {  	s6 =	sadd.s32 $0xFFFFFFFF, s6;
	[sflag:s7] =	ssyncadd.s32 $0xFFFF8000  }
0x6c: {  	_ =	sfence.sel $0x180000  }
0x6d: {  	[bflag:$0x0] =	sbarrier.arrive $0xFFFF  }
0x6e: {  	p0 =	sne.s32 s2, $0x0;
	_ =	strace $0x90000047  }
0x6f: {  	s0 =	sadd.s32 @!p0 $0x100000, s0;
	[bflag:$0x2] =	sbarrier.arrive $0xFFFF  }
0x70: {  	[sflag:s0] =	ssyncadd.tile.s32 @!p0 $0x1;
	_ =	shalt  }
.Lfunc_end2:
_tile_overlayer_lowered:
.L_overlay_start_2:
0x71: {  	(tag) =	ssettag $0x2  }
0x72: {  	s0 =	rddreg [dreg:$0x0];
	s2 =	stileid.u32  }
0x73: {  	s1 =	rddreg [dreg:$0x1];
	p0 =	sne.s32 s2, $0x0  }
0x74: {  	s3 =	rddreg [dreg:$0x2];
	[bflag:$0x3] =	sbarrier.arrive $0xFFFF;
	s2 =	simm.s32 @!p0 $0x1C02  }
0x75: {  	[timem:s3], [sflag:s2] =	dma.local @!p0 [hbm:s0], s1  }
0x76: {  	s0 =	simm.s32 @!p0 $0x2  }
0x77: {  	_ =	swait.ge @!p0 [sflag:s0], s1  }
0x78: {  	s1 =	ssub.s32 @!p0 $0x0, s1;
	[sflag:s0] =	ssyncset.done @!p0 $0x0  }
0x79: {  	[sflag:s0] =	ssyncadd.s32 @!p0 s1  }
0x7a: {  	[bflag:$0x3] =	sbarrier.arrive $0xFFFF  }
0x7b: {  	_ =	shalt  }

</sc_bundles>
